<compile_context>
chip_gen: v7x
topology: tpu7x:2x2x1
jax: 0.10.2.dev20260603
libtpu: 0.0.44.dev20260713+nightly
codegen_flags: <defaults>
</compile_context>

<pallas_src>
import functools

import jax
import jax.numpy as jnp
from jax import lax
from jax.experimental import pallas as pl
from jax.experimental.pallas import tpu as pltpu
from jax.experimental.pallas import tpu_sc as plsc

_D = 64
_R_BLK = 400

_NC = 2
_NS = 16
_NW = _NC * _NS
_BATCH = 128


def _batches(chunk):
    return [(j, min(_BATCH, chunk - j)) for j in range(0, chunk, _BATCH)]


def _root_feat_body(m_ref, e_ref, b_ref, o_ref):
    m = m_ref[...]
    e = e_ref[...]
    p = (m * e[:, None, :]).reshape(_R_BLK * _D, _D)
    ones = jnp.ones((_D, _D), jnp.float32)
    s = jax.lax.dot(p, ones, preferred_element_type=jnp.float32)
    s3 = s.reshape(_R_BLK, _D, _D)
    eye = jnp.eye(_D, dtype=jnp.float32)
    feat = jnp.sum(s3 * eye[None], axis=1) + b_ref[...]
    o_ref[...] = jnp.concatenate([feat, jnp.zeros_like(feat)], axis=1)


def _root_features(morpho_transforms, root_embeddings, root_bias):
    num_roots = morpho_transforms.shape[0]
    return pl.pallas_call(
        _root_feat_body,
        grid=(num_roots // _R_BLK,),
        in_specs=[
            pl.BlockSpec((_R_BLK, _D, _D), lambda i: (i, 0, 0)),
            pl.BlockSpec((_R_BLK, _D), lambda i: (i, 0)),
            pl.BlockSpec((_R_BLK, _D), lambda i: (i, 0)),
        ],
        out_specs=pl.BlockSpec((_R_BLK, 2 * _D), lambda i: (i, 0)),
        out_shape=jax.ShapeDtypeStruct((num_roots, 2 * _D), jnp.float32),
    )(morpho_transforms, root_embeddings, root_bias)


def _sc_ridx_body(chunk, n, widx_hbm, r_of_w_hbm, ridx_hbm, widx_v, ridx_v, sem):
    wid = lax.axis_index("s") * _NC + lax.axis_index("c")
    base = lax.min(wid * chunk, n - chunk)
    pltpu.sync_copy(widx_hbm.at[pl.ds(base, chunk)], widx_v)
    g1 = [
        pltpu.async_copy(
            r_of_w_hbm.at[widx_v.at[pl.ds(j, sz)]],
            ridx_v.at[pl.ds(j, sz)],
            sem,
        )
        for j, sz in _batches(chunk)
    ]
    for c in g1:
        c.wait()
    pltpu.sync_copy(ridx_v, ridx_hbm.at[pl.ds(base, chunk)])


def _sc_rows_body(chunk, n, ridx_hbm, feat_hbm, out_hbm, ridx_v, rows_v, sem):
    wid = lax.axis_index("s") * _NC + lax.axis_index("c")
    base = lax.min(wid * chunk, n - chunk)
    pltpu.sync_copy(ridx_hbm.at[pl.ds(base, chunk)], ridx_v)
    g2 = [
        pltpu.async_copy(
            feat_hbm.at[ridx_v.at[pl.ds(j, sz)]],
            rows_v.at[pl.ds(j, sz)],
            sem,
        )
        for j, sz in _batches(chunk)
    ]
    for c in g2:
        c.wait()
    pltpu.sync_copy(rows_v, out_hbm.at[pl.ds(base, chunk)])


@functools.lru_cache(maxsize=None)
def _make_sc_ridx(chunk, n):
    return pl.kernel(
        functools.partial(_sc_ridx_body, chunk, n),
        mesh=plsc.VectorSubcoreMesh(core_axis_name="c", subcore_axis_name="s"),
        out_type=jax.ShapeDtypeStruct((n,), jnp.int32),
        scratch_types=[
            pltpu.VMEM((chunk,), jnp.int32),
            pltpu.VMEM((chunk,), jnp.int32),
            pltpu.SemaphoreType.DMA,
        ],
    )


@functools.lru_cache(maxsize=None)
def _make_sc_rows(chunk, n):
    return pl.kernel(
        functools.partial(_sc_rows_body, chunk, n),
        mesh=plsc.VectorSubcoreMesh(core_axis_name="c", subcore_axis_name="s"),
        out_type=jax.ShapeDtypeStruct((n, 2 * _D), jnp.float32),
        scratch_types=[
            pltpu.VMEM((chunk,), jnp.int32),
            pltpu.VMEM((chunk, 2 * _D), jnp.float32),
            pltpu.SemaphoreType.DMA,
        ],
    )


def kernel(word_indices, root_of_word, root_embeddings, morpho_transforms, root_bias):
    n = word_indices.shape[0]
    chunk = -(-n // _NW)
    chunk += -chunk % 8
    ridx = _make_sc_ridx(chunk, n)(word_indices.astype(jnp.int32),
                                   root_of_word.astype(jnp.int32))
    feat = _root_features(morpho_transforms, root_embeddings, root_bias)
    out = _make_sc_rows(chunk, n)(ridx, feat)
    return out[:, :_D]

# --- scband reference (transcript-rebuilt; emitter-appended) ---
"""Pipeline reference for scband-morphological-equivariance-74285754352261 (READ-ONLY COPY).

The authoritative reference and input builder live on the scoring server;
editing this copy changes nothing except your own understanding.
"""

import jax, jax.numpy as jnp
import numpy as np

NUM_ROOTS = 10000
EMB_DIM = 64
NUM_WORDS = 100000
N_TOKENS = 20000

def setup_inputs(seed: int = 0) -> dict:
    key = jax.random.key(seed)
    k1, k2, k3, k4, k5 = jax.random.split(key, 5)
    word_indices = jax.random.randint(k1, (N_TOKENS,), 0, NUM_WORDS, dtype=jnp.int64 if jax.config.jax_enable_x64 else jnp.int32)
    root_of_word = jax.random.randint(k2, (NUM_WORDS,), 0, NUM_ROOTS, dtype=jnp.int64 if jax.config.jax_enable_x64 else jnp.int32)
    # kaiming_uniform(a=1.0, fan_in) -> bound = sqrt(6/((1+a^2)*fan_in)) = sqrt(3/fan_in)
    bound_e = float(np.sqrt(3.0 / EMB_DIM))
    root_embeddings = jax.random.uniform(k3, (NUM_ROOTS, EMB_DIM), minval=-bound_e, maxval=bound_e, dtype=jnp.float32)
    # fan_in for (num_roots, D, D) with kaiming_uniform is D*D? torch computes fan over last 2 dims -> fan_in = D
    bound_m = float(np.sqrt(3.0 / EMB_DIM))
    morpho_transforms = jax.random.uniform(k4, (NUM_ROOTS, EMB_DIM, EMB_DIM), minval=-bound_m, maxval=bound_m, dtype=jnp.float32)
    root_bias = jnp.zeros((NUM_ROOTS, EMB_DIM), dtype=jnp.float32)
    return {
        "word_indices": word_indices,
        "root_of_word": root_of_word,
        "root_embeddings": root_embeddings,
        "morpho_transforms": morpho_transforms,
        "root_bias": root_bias,
    }

def reference(word_indices, root_of_word, root_embeddings, morpho_transforms, root_bias):
    # extract_roots: mapping lookup (dict in torch) -> gather from mapping table
    root_indices = jnp.take(root_of_word, word_indices, axis=0)
    # extract_equivariant_features
    root_embs = jnp.take(root_embeddings, root_indices, axis=0)          # (N, D)
    morpho_matrices = jnp.take(morpho_transforms, root_indices, axis=0)  # (N, D, D)
    transformed = jnp.einsum('nij,nj->ni', morpho_matrices, root_embs)   # (N, D)
    biases = jnp.take(root_bias, root_indices, axis=0)                   # (N, D)
    features = transformed + biases
    return features

if __name__ == "__main__":
    import jax
    _d = setup_inputs()
    print(jax.jit(kernel)(*tuple(_d.values())))

</pallas_src>

<mosaic_0001>
#map = affine_map<(d0, d1) -> (0)>
#map1 = affine_map<(d0, d1) -> (0, 0)>
module attributes {stable_mosaic.version = 14 : i64} {
  func.func @_sc_rows_body(%arg0: i32, %arg1: i32, %arg2: memref<20000xi32, #tpu.memory_space<hbm>>, %arg3: memref<10000x128xf32, #tpu.memory_space<hbm>>, %arg4: memref<20000x128xf32, #tpu.memory_space<hbm>>, %arg5: memref<632xi32, #tpu.memory_space<vmem>>, %arg6: memref<632x128xf32, #tpu.memory_space<vmem>>, %arg7: memref<!tpu.dma_semaphore, #tpu.memory_space<semaphore_mem>>) attributes {dimension_semantics = [#tpu.dimension_semantics<core_parallel>, #tpu.dimension_semantics<subcore_parallel>], iteration_bounds = array<i64: 2, 16>, scalar_prefetch = 0 : i64, scratch_operands = 3 : i64, tpu.core_type = #tpu.core_type<sc_vector_subcore>, window_params = [{transform_indices = #map}, {transform_indices = #map1}, {transform_indices = #map1}]} {
    %mul3A = arith.constant 2 : i32
    %mul3A_0 = arith.muli %arg1, %mul3A : i32
    %add3A = arith.addi %mul3A_0, %arg0 : i32
    %mul3A_1 = arith.constant 632 : i32
    %mul3A_2 = arith.muli %add3A, %mul3A_1 : i32
    %min3A = arith.constant 19368 : i32
    %min3A_3 = arith.minsi %mul3A_2, %min3A : i32
    "tpu.region"() ({
      %run_scoped3A = tpu.sem_alloc : memref<!tpu.dma_semaphore, #tpu.memory_space<semaphore_mem>>
      %dma_start3A_82 = tpu.memref_slice %arg2[%min3A_3] : memref<20000xi32, #tpu.memory_space<hbm>> -> memref<632xi32, #tpu.memory_space<hbm>>
      %dma_start3A_83 = tpu.memref_slice %arg2[%min3A_3] : memref<20000xi32, #tpu.memory_space<hbm>> -> memref<632xi32, #tpu.memory_space<hbm>>
      tpu.enqueue_dma source(%dma_start3A_83 : memref<632xi32, #tpu.memory_space<hbm>>) target(%arg5 : memref<632xi32, #tpu.memory_space<vmem>>) target_semaphore(%run_scoped3A : memref<!tpu.dma_semaphore, #tpu.memory_space<semaphore_mem>>)
      %dma_wait3A_84 = tpu.memref_slice %arg2[%min3A_3] : memref<20000xi32, #tpu.memory_space<hbm>> -> memref<632xi32, #tpu.memory_space<hbm>>
      %dma_wait3A_85 = tpu.memref_slice %arg2[%min3A_3] : memref<20000xi32, #tpu.memory_space<hbm>> -> memref<632xi32, #tpu.memory_space<hbm>>
      tpu.wait_dma2 semaphore(%run_scoped3A : memref<!tpu.dma_semaphore, #tpu.memory_space<semaphore_mem>>) src(%dma_wait3A_85 : memref<632xi32, #tpu.memory_space<hbm>>) dst(%arg5 : memref<632xi32, #tpu.memory_space<vmem>>)
      tpu.yield
    }) : () -> ()
    %dma_start3A = arith.constant 0 : i32
    %dma_start3A_4 = arith.constant 0 : i32
    %dma_start3A_5 = tpu.memref_slice %arg6[%dma_start3A, %dma_start3A_4] : memref<632x128xf32, #tpu.memory_space<vmem>> -> memref<128x128xf32, #tpu.memory_space<vmem>>
    %dma_start3A_6 = arith.constant 0 : i32
    %dma_start3A_7 = tpu.memref_slice %arg5[%dma_start3A_6] : memref<632xi32, #tpu.memory_space<vmem>> -> memref<128xi32, #tpu.memory_space<vmem>>
    %dma_start3A_8 = arith.constant 0 : i32
    %dma_start3A_9 = arith.constant 0 : i32
    %dma_start3A_10 = tpu.memref_slice %arg3[%dma_start3A_8, %dma_start3A_9] : memref<10000x128xf32, #tpu.memory_space<hbm>> -> memref<10000x128xf32, #tpu.memory_space<hbm>>
    tpu.enqueue_indirect_dma source(%dma_start3A_10 : memref<10000x128xf32, #tpu.memory_space<hbm>>) target(%dma_start3A_5 : memref<128x128xf32, #tpu.memory_space<vmem>>) offsets(%dma_start3A_7 : memref<128xi32, #tpu.memory_space<vmem>>) semaphore(%arg7 : memref<!tpu.dma_semaphore, #tpu.memory_space<semaphore_mem>>)
    %dma_start3A_11 = arith.constant 128 : i32
    %dma_start3A_12 = arith.constant 0 : i32
    %dma_start3A_13 = tpu.memref_slice %arg6[%dma_start3A_11, %dma_start3A_12] : memref<632x128xf32, #tpu.memory_space<vmem>> -> memref<128x128xf32, #tpu.memory_space<vmem>>
    %dma_start3A_14 = arith.constant 128 : i32
    %dma_start3A_15 = tpu.memref_slice %arg5[%dma_start3A_14] : memref<632xi32, #tpu.memory_space<vmem>> -> memref<128xi32, #tpu.memory_space<vmem>>
    %dma_start3A_16 = arith.constant 0 : i32
    %dma_start3A_17 = arith.constant 0 : i32
    %dma_start3A_18 = tpu.memref_slice %arg3[%dma_start3A_16, %dma_start3A_17] : memref<10000x128xf32, #tpu.memory_space<hbm>> -> memref<10000x128xf32, #tpu.memory_space<hbm>>
    tpu.enqueue_indirect_dma source(%dma_start3A_18 : memref<10000x128xf32, #tpu.memory_space<hbm>>) target(%dma_start3A_13 : memref<128x128xf32, #tpu.memory_space<vmem>>) offsets(%dma_start3A_15 : memref<128xi32, #tpu.memory_space<vmem>>) semaphore(%arg7 : memref<!tpu.dma_semaphore, #tpu.memory_space<semaphore_mem>>)
    %dma_start3A_19 = arith.constant 256 : i32
    %dma_start3A_20 = arith.constant 0 : i32
    %dma_start3A_21 = tpu.memref_slice %arg6[%dma_start3A_19, %dma_start3A_20] : memref<632x128xf32, #tpu.memory_space<vmem>> -> memref<128x128xf32, #tpu.memory_space<vmem>>
    %dma_start3A_22 = arith.constant 256 : i32
    %dma_start3A_23 = tpu.memref_slice %arg5[%dma_start3A_22] : memref<632xi32, #tpu.memory_space<vmem>> -> memref<128xi32, #tpu.memory_space<vmem>>
    %dma_start3A_24 = arith.constant 0 : i32
    %dma_start3A_25 = arith.constant 0 : i32
    %dma_start3A_26 = tpu.memref_slice %arg3[%dma_start3A_24, %dma_start3A_25] : memref<10000x128xf32, #tpu.memory_space<hbm>> -> memref<10000x128xf32, #tpu.memory_space<hbm>>
    tpu.enqueue_indirect_dma source(%dma_start3A_26 : memref<10000x128xf32, #tpu.memory_space<hbm>>) target(%dma_start3A_21 : memref<128x128xf32, #tpu.memory_space<vmem>>) offsets(%dma_start3A_23 : memref<128xi32, #tpu.memory_space<vmem>>) semaphore(%arg7 : memref<!tpu.dma_semaphore, #tpu.memory_space<semaphore_mem>>)
    %dma_start3A_27 = arith.constant 384 : i32
    %dma_start3A_28 = arith.constant 0 : i32
    %dma_start3A_29 = tpu.memref_slice %arg6[%dma_start3A_27, %dma_start3A_28] : memref<632x128xf32, #tpu.memory_space<vmem>> -> memref<128x128xf32, #tpu.memory_space<vmem>>
    %dma_start3A_30 = arith.constant 384 : i32
    %dma_start3A_31 = tpu.memref_slice %arg5[%dma_start3A_30] : memref<632xi32, #tpu.memory_space<vmem>> -> memref<128xi32, #tpu.memory_space<vmem>>
    %dma_start3A_32 = arith.constant 0 : i32
    %dma_start3A_33 = arith.constant 0 : i32
    %dma_start3A_34 = tpu.memref_slice %arg3[%dma_start3A_32, %dma_start3A_33] : memref<10000x128xf32, #tpu.memory_space<hbm>> -> memref<10000x128xf32, #tpu.memory_space<hbm>>
    tpu.enqueue_indirect_dma source(%dma_start3A_34 : memref<10000x128xf32, #tpu.memory_space<hbm>>) target(%dma_start3A_29 : memref<128x128xf32, #tpu.memory_space<vmem>>) offsets(%dma_start3A_31 : memref<128xi32, #tpu.memory_space<vmem>>) semaphore(%arg7 : memref<!tpu.dma_semaphore, #tpu.memory_space<semaphore_mem>>)
    %dma_start3A_35 = arith.constant 512 : i32
    %dma_start3A_36 = arith.constant 0 : i32
    %dma_start3A_37 = tpu.memref_slice %arg6[%dma_start3A_35, %dma_start3A_36] : memref<632x128xf32, #tpu.memory_space<vmem>> -> memref<120x128xf32, #tpu.memory_space<vmem>>
    %dma_start3A_38 = arith.constant 512 : i32
    %dma_start3A_39 = tpu.memref_slice %arg5[%dma_start3A_38] : memref<632xi32, #tpu.memory_space<vmem>> -> memref<120xi32, #tpu.memory_space<vmem>>
    %dma_start3A_40 = arith.constant 0 : i32
    %dma_start3A_41 = arith.constant 0 : i32
    %dma_start3A_42 = tpu.memref_slice %arg3[%dma_start3A_40, %dma_start3A_41] : memref<10000x128xf32, #tpu.memory_space<hbm>> -> memref<10000x128xf32, #tpu.memory_space<hbm>>
    tpu.enqueue_indirect_dma source(%dma_start3A_42 : memref<10000x128xf32, #tpu.memory_space<hbm>>) target(%dma_start3A_37 : memref<120x128xf32, #tpu.memory_space<vmem>>) offsets(%dma_start3A_39 : memref<120xi32, #tpu.memory_space<vmem>>) semaphore(%arg7 : memref<!tpu.dma_semaphore, #tpu.memory_space<semaphore_mem>>)
    %dma_wait3A = arith.constant 0 : i32
    %dma_wait3A_43 = arith.constant 0 : i32
    %dma_wait3A_44 = tpu.memref_slice %arg6[%dma_wait3A, %dma_wait3A_43] : memref<632x128xf32, #tpu.memory_space<vmem>> -> memref<128x128xf32, #tpu.memory_space<vmem>>
    %dma_wait3A_45 = arith.constant 0 : i32
    %dma_wait3A_46 = tpu.memref_slice %arg5[%dma_wait3A_45] : memref<632xi32, #tpu.memory_space<vmem>> -> memref<128xi32, #tpu.memory_space<vmem>>
    %dma_wait3A_47 = arith.constant 0 : i32
    %dma_wait3A_48 = arith.constant 0 : i32
    %dma_wait3A_49 = tpu.memref_slice %arg3[%dma_wait3A_47, %dma_wait3A_48] : memref<10000x128xf32, #tpu.memory_space<hbm>> -> memref<10000x128xf32, #tpu.memory_space<hbm>>
    tpu.wait_indirect_dma semaphore(%arg7 : memref<!tpu.dma_semaphore, #tpu.memory_space<semaphore_mem>>) src(%dma_wait3A_49 : memref<10000x128xf32, #tpu.memory_space<hbm>>) dst(%dma_wait3A_44 : memref<128x128xf32, #tpu.memory_space<vmem>>)
    %dma_wait3A_50 = arith.constant 128 : i32
    %dma_wait3A_51 = arith.constant 0 : i32
    %dma_wait3A_52 = tpu.memref_slice %arg6[%dma_wait3A_50, %dma_wait3A_51] : memref<632x128xf32, #tpu.memory_space<vmem>> -> memref<128x128xf32, #tpu.memory_space<vmem>>
    %dma_wait3A_53 = arith.constant 128 : i32
    %dma_wait3A_54 = tpu.memref_slice %arg5[%dma_wait3A_53] : memref<632xi32, #tpu.memory_space<vmem>> -> memref<128xi32, #tpu.memory_space<vmem>>
    %dma_wait3A_55 = arith.constant 0 : i32
    %dma_wait3A_56 = arith.constant 0 : i32
    %dma_wait3A_57 = tpu.memref_slice %arg3[%dma_wait3A_55, %dma_wait3A_56] : memref<10000x128xf32, #tpu.memory_space<hbm>> -> memref<10000x128xf32, #tpu.memory_space<hbm>>
    tpu.wait_indirect_dma semaphore(%arg7 : memref<!tpu.dma_semaphore, #tpu.memory_space<semaphore_mem>>) src(%dma_wait3A_57 : memref<10000x128xf32, #tpu.memory_space<hbm>>) dst(%dma_wait3A_52 : memref<128x128xf32, #tpu.memory_space<vmem>>)
    %dma_wait3A_58 = arith.constant 256 : i32
    %dma_wait3A_59 = arith.constant 0 : i32
    %dma_wait3A_60 = tpu.memref_slice %arg6[%dma_wait3A_58, %dma_wait3A_59] : memref<632x128xf32, #tpu.memory_space<vmem>> -> memref<128x128xf32, #tpu.memory_space<vmem>>
    %dma_wait3A_61 = arith.constant 256 : i32
    %dma_wait3A_62 = tpu.memref_slice %arg5[%dma_wait3A_61] : memref<632xi32, #tpu.memory_space<vmem>> -> memref<128xi32, #tpu.memory_space<vmem>>
    %dma_wait3A_63 = arith.constant 0 : i32
    %dma_wait3A_64 = arith.constant 0 : i32
    %dma_wait3A_65 = tpu.memref_slice %arg3[%dma_wait3A_63, %dma_wait3A_64] : memref<10000x128xf32, #tpu.memory_space<hbm>> -> memref<10000x128xf32, #tpu.memory_space<hbm>>
    tpu.wait_indirect_dma semaphore(%arg7 : memref<!tpu.dma_semaphore, #tpu.memory_space<semaphore_mem>>) src(%dma_wait3A_65 : memref<10000x128xf32, #tpu.memory_space<hbm>>) dst(%dma_wait3A_60 : memref<128x128xf32, #tpu.memory_space<vmem>>)
    %dma_wait3A_66 = arith.constant 384 : i32
    %dma_wait3A_67 = arith.constant 0 : i32
    %dma_wait3A_68 = tpu.memref_slice %arg6[%dma_wait3A_66, %dma_wait3A_67] : memref<632x128xf32, #tpu.memory_space<vmem>> -> memref<128x128xf32, #tpu.memory_space<vmem>>
    %dma_wait3A_69 = arith.constant 384 : i32
    %dma_wait3A_70 = tpu.memref_slice %arg5[%dma_wait3A_69] : memref<632xi32, #tpu.memory_space<vmem>> -> memref<128xi32, #tpu.memory_space<vmem>>
    %dma_wait3A_71 = arith.constant 0 : i32
    %dma_wait3A_72 = arith.constant 0 : i32
    %dma_wait3A_73 = tpu.memref_slice %arg3[%dma_wait3A_71, %dma_wait3A_72] : memref<10000x128xf32, #tpu.memory_space<hbm>> -> memref<10000x128xf32, #tpu.memory_space<hbm>>
    tpu.wait_indirect_dma semaphore(%arg7 : memref<!tpu.dma_semaphore, #tpu.memory_space<semaphore_mem>>) src(%dma_wait3A_73 : memref<10000x128xf32, #tpu.memory_space<hbm>>) dst(%dma_wait3A_68 : memref<128x128xf32, #tpu.memory_space<vmem>>)
    %dma_wait3A_74 = arith.constant 512 : i32
    %dma_wait3A_75 = arith.constant 0 : i32
    %dma_wait3A_76 = tpu.memref_slice %arg6[%dma_wait3A_74, %dma_wait3A_75] : memref<632x128xf32, #tpu.memory_space<vmem>> -> memref<120x128xf32, #tpu.memory_space<vmem>>
    %dma_wait3A_77 = arith.constant 512 : i32
    %dma_wait3A_78 = tpu.memref_slice %arg5[%dma_wait3A_77] : memref<632xi32, #tpu.memory_space<vmem>> -> memref<120xi32, #tpu.memory_space<vmem>>
    %dma_wait3A_79 = arith.constant 0 : i32
    %dma_wait3A_80 = arith.constant 0 : i32
    %dma_wait3A_81 = tpu.memref_slice %arg3[%dma_wait3A_79, %dma_wait3A_80] : memref<10000x128xf32, #tpu.memory_space<hbm>> -> memref<10000x128xf32, #tpu.memory_space<hbm>>
    tpu.wait_indirect_dma semaphore(%arg7 : memref<!tpu.dma_semaphore, #tpu.memory_space<semaphore_mem>>) src(%dma_wait3A_81 : memref<10000x128xf32, #tpu.memory_space<hbm>>) dst(%dma_wait3A_76 : memref<120x128xf32, #tpu.memory_space<vmem>>)
    "tpu.region"() ({
      %run_scoped3A = tpu.sem_alloc : memref<!tpu.dma_semaphore, #tpu.memory_space<semaphore_mem>>
      %dma_start3A_82 = arith.constant 0 : i32
      %dma_start3A_83 = tpu.memref_slice %arg4[%min3A_3, %dma_start3A_82] : memref<20000x128xf32, #tpu.memory_space<hbm>> -> memref<632x128xf32, #tpu.memory_space<hbm>>
      %dma_start3A_84 = arith.constant 0 : i32
      %dma_start3A_85 = tpu.memref_slice %arg4[%min3A_3, %dma_start3A_84] : memref<20000x128xf32, #tpu.memory_space<hbm>> -> memref<632x128xf32, #tpu.memory_space<hbm>>
      tpu.enqueue_dma source(%arg6 : memref<632x128xf32, #tpu.memory_space<vmem>>) target(%dma_start3A_85 : memref<632x128xf32, #tpu.memory_space<hbm>>) target_semaphore(%run_scoped3A : memref<!tpu.dma_semaphore, #tpu.memory_space<semaphore_mem>>)
      %dma_wait3A_86 = arith.constant 0 : i32
      %dma_wait3A_87 = tpu.memref_slice %arg4[%min3A_3, %dma_wait3A_86] : memref<20000x128xf32, #tpu.memory_space<hbm>> -> memref<632x128xf32, #tpu.memory_space<hbm>>
      %dma_wait3A_88 = arith.constant 0 : i32
      %dma_wait3A_89 = tpu.memref_slice %arg4[%min3A_3, %dma_wait3A_88] : memref<20000x128xf32, #tpu.memory_space<hbm>> -> memref<632x128xf32, #tpu.memory_space<hbm>>
      tpu.wait_dma2 semaphore(%run_scoped3A : memref<!tpu.dma_semaphore, #tpu.memory_space<semaphore_mem>>) src(%arg6 : memref<632x128xf32, #tpu.memory_space<vmem>>) dst(%dma_wait3A_89 : memref<632x128xf32, #tpu.memory_space<hbm>>)
      tpu.yield
    }) : () -> ()
    return
  }
}

#map = affine_map<(d0, d1) -> (0)>
module attributes {stable_mosaic.version = 14 : i64} {
  func.func @_sc_ridx_body(%arg0: i32, %arg1: i32, %arg2: memref<20000xi32, #tpu.memory_space<hbm>>, %arg3: memref<100000xi32, #tpu.memory_space<hbm>>, %arg4: memref<20000xi32, #tpu.memory_space<hbm>>, %arg5: memref<632xi32, #tpu.memory_space<vmem>>, %arg6: memref<632xi32, #tpu.memory_space<vmem>>, %arg7: memref<!tpu.dma_semaphore, #tpu.memory_space<semaphore_mem>>) attributes {dimension_semantics = [#tpu.dimension_semantics<core_parallel>, #tpu.dimension_semantics<subcore_parallel>], iteration_bounds = array<i64: 2, 16>, scalar_prefetch = 0 : i64, scratch_operands = 3 : i64, tpu.core_type = #tpu.core_type<sc_vector_subcore>, window_params = [{transform_indices = #map}, {transform_indices = #map}, {transform_indices = #map}]} {
    %mul3A = arith.constant 2 : i32
    %mul3A_0 = arith.muli %arg1, %mul3A : i32
    %add3A = arith.addi %mul3A_0, %arg0 : i32
    %mul3A_1 = arith.constant 632 : i32
    %mul3A_2 = arith.muli %add3A, %mul3A_1 : i32
    %min3A = arith.constant 19368 : i32
    %min3A_3 = arith.minsi %mul3A_2, %min3A : i32
    "tpu.region"() ({
      %run_scoped3A = tpu.sem_alloc : memref<!tpu.dma_semaphore, #tpu.memory_space<semaphore_mem>>
      %dma_start3A_62 = tpu.memref_slice %arg2[%min3A_3] : memref<20000xi32, #tpu.memory_space<hbm>> -> memref<632xi32, #tpu.memory_space<hbm>>
      %dma_start3A_63 = tpu.memref_slice %arg2[%min3A_3] : memref<20000xi32, #tpu.memory_space<hbm>> -> memref<632xi32, #tpu.memory_space<hbm>>
      tpu.enqueue_dma source(%dma_start3A_63 : memref<632xi32, #tpu.memory_space<hbm>>) target(%arg5 : memref<632xi32, #tpu.memory_space<vmem>>) target_semaphore(%run_scoped3A : memref<!tpu.dma_semaphore, #tpu.memory_space<semaphore_mem>>)
      %dma_wait3A_64 = tpu.memref_slice %arg2[%min3A_3] : memref<20000xi32, #tpu.memory_space<hbm>> -> memref<632xi32, #tpu.memory_space<hbm>>
      %dma_wait3A_65 = tpu.memref_slice %arg2[%min3A_3] : memref<20000xi32, #tpu.memory_space<hbm>> -> memref<632xi32, #tpu.memory_space<hbm>>
      tpu.wait_dma2 semaphore(%run_scoped3A : memref<!tpu.dma_semaphore, #tpu.memory_space<semaphore_mem>>) src(%dma_wait3A_65 : memref<632xi32, #tpu.memory_space<hbm>>) dst(%arg5 : memref<632xi32, #tpu.memory_space<vmem>>)
      tpu.yield
    }) : () -> ()
    %dma_start3A = arith.constant 0 : i32
    %dma_start3A_4 = tpu.memref_slice %arg6[%dma_start3A] : memref<632xi32, #tpu.memory_space<vmem>> -> memref<128xi32, #tpu.memory_space<vmem>>
    %dma_start3A_5 = arith.constant 0 : i32
    %dma_start3A_6 = tpu.memref_slice %arg5[%dma_start3A_5] : memref<632xi32, #tpu.memory_space<vmem>> -> memref<128xi32, #tpu.memory_space<vmem>>
    %dma_start3A_7 = arith.constant 0 : i32
    %dma_start3A_8 = tpu.memref_slice %arg3[%dma_start3A_7] : memref<100000xi32, #tpu.memory_space<hbm>> -> memref<100000xi32, #tpu.memory_space<hbm>>
    tpu.enqueue_indirect_dma source(%dma_start3A_8 : memref<100000xi32, #tpu.memory_space<hbm>>) target(%dma_start3A_4 : memref<128xi32, #tpu.memory_space<vmem>>) offsets(%dma_start3A_6 : memref<128xi32, #tpu.memory_space<vmem>>) semaphore(%arg7 : memref<!tpu.dma_semaphore, #tpu.memory_space<semaphore_mem>>)
    %dma_start3A_9 = arith.constant 128 : i32
    %dma_start3A_10 = tpu.memref_slice %arg6[%dma_start3A_9] : memref<632xi32, #tpu.memory_space<vmem>> -> memref<128xi32, #tpu.memory_space<vmem>>
    %dma_start3A_11 = arith.constant 128 : i32
    %dma_start3A_12 = tpu.memref_slice %arg5[%dma_start3A_11] : memref<632xi32, #tpu.memory_space<vmem>> -> memref<128xi32, #tpu.memory_space<vmem>>
    %dma_start3A_13 = arith.constant 0 : i32
    %dma_start3A_14 = tpu.memref_slice %arg3[%dma_start3A_13] : memref<100000xi32, #tpu.memory_space<hbm>> -> memref<100000xi32, #tpu.memory_space<hbm>>
    tpu.enqueue_indirect_dma source(%dma_start3A_14 : memref<100000xi32, #tpu.memory_space<hbm>>) target(%dma_start3A_10 : memref<128xi32, #tpu.memory_space<vmem>>) offsets(%dma_start3A_12 : memref<128xi32, #tpu.memory_space<vmem>>) semaphore(%arg7 : memref<!tpu.dma_semaphore, #tpu.memory_space<semaphore_mem>>)
    %dma_start3A_15 = arith.constant 256 : i32
    %dma_start3A_16 = tpu.memref_slice %arg6[%dma_start3A_15] : memref<632xi32, #tpu.memory_space<vmem>> -> memref<128xi32, #tpu.memory_space<vmem>>
    %dma_start3A_17 = arith.constant 256 : i32
    %dma_start3A_18 = tpu.memref_slice %arg5[%dma_start3A_17] : memref<632xi32, #tpu.memory_space<vmem>> -> memref<128xi32, #tpu.memory_space<vmem>>
    %dma_start3A_19 = arith.constant 0 : i32
    %dma_start3A_20 = tpu.memref_slice %arg3[%dma_start3A_19] : memref<100000xi32, #tpu.memory_space<hbm>> -> memref<100000xi32, #tpu.memory_space<hbm>>
    tpu.enqueue_indirect_dma source(%dma_start3A_20 : memref<100000xi32, #tpu.memory_space<hbm>>) target(%dma_start3A_16 : memref<128xi32, #tpu.memory_space<vmem>>) offsets(%dma_start3A_18 : memref<128xi32, #tpu.memory_space<vmem>>) semaphore(%arg7 : memref<!tpu.dma_semaphore, #tpu.memory_space<semaphore_mem>>)
    %dma_start3A_21 = arith.constant 384 : i32
    %dma_start3A_22 = tpu.memref_slice %arg6[%dma_start3A_21] : memref<632xi32, #tpu.memory_space<vmem>> -> memref<128xi32, #tpu.memory_space<vmem>>
    %dma_start3A_23 = arith.constant 384 : i32
    %dma_start3A_24 = tpu.memref_slice %arg5[%dma_start3A_23] : memref<632xi32, #tpu.memory_space<vmem>> -> memref<128xi32, #tpu.memory_space<vmem>>
    %dma_start3A_25 = arith.constant 0 : i32
    %dma_start3A_26 = tpu.memref_slice %arg3[%dma_start3A_25] : memref<100000xi32, #tpu.memory_space<hbm>> -> memref<100000xi32, #tpu.memory_space<hbm>>
    tpu.enqueue_indirect_dma source(%dma_start3A_26 : memref<100000xi32, #tpu.memory_space<hbm>>) target(%dma_start3A_22 : memref<128xi32, #tpu.memory_space<vmem>>) offsets(%dma_start3A_24 : memref<128xi32, #tpu.memory_space<vmem>>) semaphore(%arg7 : memref<!tpu.dma_semaphore, #tpu.memory_space<semaphore_mem>>)
    %dma_start3A_27 = arith.constant 512 : i32
    %dma_start3A_28 = tpu.memref_slice %arg6[%dma_start3A_27] : memref<632xi32, #tpu.memory_space<vmem>> -> memref<120xi32, #tpu.memory_space<vmem>>
    %dma_start3A_29 = arith.constant 512 : i32
    %dma_start3A_30 = tpu.memref_slice %arg5[%dma_start3A_29] : memref<632xi32, #tpu.memory_space<vmem>> -> memref<120xi32, #tpu.memory_space<vmem>>
    %dma_start3A_31 = arith.constant 0 : i32
    %dma_start3A_32 = tpu.memref_slice %arg3[%dma_start3A_31] : memref<100000xi32, #tpu.memory_space<hbm>> -> memref<100000xi32, #tpu.memory_space<hbm>>
    tpu.enqueue_indirect_dma source(%dma_start3A_32 : memref<100000xi32, #tpu.memory_space<hbm>>) target(%dma_start3A_28 : memref<120xi32, #tpu.memory_space<vmem>>) offsets(%dma_start3A_30 : memref<120xi32, #tpu.memory_space<vmem>>) semaphore(%arg7 : memref<!tpu.dma_semaphore, #tpu.memory_space<semaphore_mem>>)
    %dma_wait3A = arith.constant 0 : i32
    %dma_wait3A_33 = tpu.memref_slice %arg6[%dma_wait3A] : memref<632xi32, #tpu.memory_space<vmem>> -> memref<128xi32, #tpu.memory_space<vmem>>
    %dma_wait3A_34 = arith.constant 0 : i32
    %dma_wait3A_35 = tpu.memref_slice %arg5[%dma_wait3A_34] : memref<632xi32, #tpu.memory_space<vmem>> -> memref<128xi32, #tpu.memory_space<vmem>>
    %dma_wait3A_36 = arith.constant 0 : i32
    %dma_wait3A_37 = tpu.memref_slice %arg3[%dma_wait3A_36] : memref<100000xi32, #tpu.memory_space<hbm>> -> memref<100000xi32, #tpu.memory_space<hbm>>
    tpu.wait_indirect_dma semaphore(%arg7 : memref<!tpu.dma_semaphore, #tpu.memory_space<semaphore_mem>>) src(%dma_wait3A_37 : memref<100000xi32, #tpu.memory_space<hbm>>) dst(%dma_wait3A_33 : memref<128xi32, #tpu.memory_space<vmem>>)
    %dma_wait3A_38 = arith.constant 128 : i32
    %dma_wait3A_39 = tpu.memref_slice %arg6[%dma_wait3A_38] : memref<632xi32, #tpu.memory_space<vmem>> -> memref<128xi32, #tpu.memory_space<vmem>>
    %dma_wait3A_40 = arith.constant 128 : i32
    %dma_wait3A_41 = tpu.memref_slice %arg5[%dma_wait3A_40] : memref<632xi32, #tpu.memory_space<vmem>> -> memref<128xi32, #tpu.memory_space<vmem>>
    %dma_wait3A_42 = arith.constant 0 : i32
    %dma_wait3A_43 = tpu.memref_slice %arg3[%dma_wait3A_42] : memref<100000xi32, #tpu.memory_space<hbm>> -> memref<100000xi32, #tpu.memory_space<hbm>>
    tpu.wait_indirect_dma semaphore(%arg7 : memref<!tpu.dma_semaphore, #tpu.memory_space<semaphore_mem>>) src(%dma_wait3A_43 : memref<100000xi32, #tpu.memory_space<hbm>>) dst(%dma_wait3A_39 : memref<128xi32, #tpu.memory_space<vmem>>)
    %dma_wait3A_44 = arith.constant 256 : i32
    %dma_wait3A_45 = tpu.memref_slice %arg6[%dma_wait3A_44] : memref<632xi32, #tpu.memory_space<vmem>> -> memref<128xi32, #tpu.memory_space<vmem>>
    %dma_wait3A_46 = arith.constant 256 : i32
    %dma_wait3A_47 = tpu.memref_slice %arg5[%dma_wait3A_46] : memref<632xi32, #tpu.memory_space<vmem>> -> memref<128xi32, #tpu.memory_space<vmem>>
    %dma_wait3A_48 = arith.constant 0 : i32
    %dma_wait3A_49 = tpu.memref_slice %arg3[%dma_wait3A_48] : memref<100000xi32, #tpu.memory_space<hbm>> -> memref<100000xi32, #tpu.memory_space<hbm>>
    tpu.wait_indirect_dma semaphore(%arg7 : memref<!tpu.dma_semaphore, #tpu.memory_space<semaphore_mem>>) src(%dma_wait3A_49 : memref<100000xi32, #tpu.memory_space<hbm>>) dst(%dma_wait3A_45 : memref<128xi32, #tpu.memory_space<vmem>>)
    %dma_wait3A_50 = arith.constant 384 : i32
    %dma_wait3A_51 = tpu.memref_slice %arg6[%dma_wait3A_50] : memref<632xi32, #tpu.memory_space<vmem>> -> memref<128xi32, #tpu.memory_space<vmem>>
    %dma_wait3A_52 = arith.constant 384 : i32
    %dma_wait3A_53 = tpu.memref_slice %arg5[%dma_wait3A_52] : memref<632xi32, #tpu.memory_space<vmem>> -> memref<128xi32, #tpu.memory_space<vmem>>
    %dma_wait3A_54 = arith.constant 0 : i32
    %dma_wait3A_55 = tpu.memref_slice %arg3[%dma_wait3A_54] : memref<100000xi32, #tpu.memory_space<hbm>> -> memref<100000xi32, #tpu.memory_space<hbm>>
    tpu.wait_indirect_dma semaphore(%arg7 : memref<!tpu.dma_semaphore, #tpu.memory_space<semaphore_mem>>) src(%dma_wait3A_55 : memref<100000xi32, #tpu.memory_space<hbm>>) dst(%dma_wait3A_51 : memref<128xi32, #tpu.memory_space<vmem>>)
    %dma_wait3A_56 = arith.constant 512 : i32
    %dma_wait3A_57 = tpu.memref_slice %arg6[%dma_wait3A_56] : memref<632xi32, #tpu.memory_space<vmem>> -> memref<120xi32, #tpu.memory_space<vmem>>
    %dma_wait3A_58 = arith.constant 512 : i32
    %dma_wait3A_59 = tpu.memref_slice %arg5[%dma_wait3A_58] : memref<632xi32, #tpu.memory_space<vmem>> -> memref<120xi32, #tpu.memory_space<vmem>>
    %dma_wait3A_60 = arith.constant 0 : i32
    %dma_wait3A_61 = tpu.memref_slice %arg3[%dma_wait3A_60] : memref<100000xi32, #tpu.memory_space<hbm>> -> memref<100000xi32, #tpu.memory_space<hbm>>
    tpu.wait_indirect_dma semaphore(%arg7 : memref<!tpu.dma_semaphore, #tpu.memory_space<semaphore_mem>>) src(%dma_wait3A_61 : memref<100000xi32, #tpu.memory_space<hbm>>) dst(%dma_wait3A_57 : memref<120xi32, #tpu.memory_space<vmem>>)
    "tpu.region"() ({
      %run_scoped3A = tpu.sem_alloc : memref<!tpu.dma_semaphore, #tpu.memory_space<semaphore_mem>>
      %dma_start3A_62 = tpu.memref_slice %arg4[%min3A_3] : memref<20000xi32, #tpu.memory_space<hbm>> -> memref<632xi32, #tpu.memory_space<hbm>>
      %dma_start3A_63 = tpu.memref_slice %arg4[%min3A_3] : memref<20000xi32, #tpu.memory_space<hbm>> -> memref<632xi32, #tpu.memory_space<hbm>>
      tpu.enqueue_dma source(%arg6 : memref<632xi32, #tpu.memory_space<vmem>>) target(%dma_start3A_63 : memref<632xi32, #tpu.memory_space<hbm>>) target_semaphore(%run_scoped3A : memref<!tpu.dma_semaphore, #tpu.memory_space<semaphore_mem>>)
      %dma_wait3A_64 = tpu.memref_slice %arg4[%min3A_3] : memref<20000xi32, #tpu.memory_space<hbm>> -> memref<632xi32, #tpu.memory_space<hbm>>
      %dma_wait3A_65 = tpu.memref_slice %arg4[%min3A_3] : memref<20000xi32, #tpu.memory_space<hbm>> -> memref<632xi32, #tpu.memory_space<hbm>>
      tpu.wait_dma2 semaphore(%run_scoped3A : memref<!tpu.dma_semaphore, #tpu.memory_space<semaphore_mem>>) src(%arg6 : memref<632xi32, #tpu.memory_space<vmem>>) dst(%dma_wait3A_65 : memref<632xi32, #tpu.memory_space<hbm>>)
      tpu.yield
    }) : () -> ()
    return
  }
}

module attributes {stable_mosaic.version = 14 : i64} {
  func.func @_root_feat_body(%arg0: i32, %arg1: memref<400x64x64xf32, #tpu.memory_space<vmem>>, %arg2: memref<400x64xf32, #tpu.memory_space<vmem>>, %arg3: memref<400x64xf32, #tpu.memory_space<vmem>>, %arg4: memref<400x128xf32, #tpu.memory_space<vmem>>) attributes {dimension_semantics = [#tpu.dimension_semantics<arbitrary>], iteration_bounds = array<i64: 25>, scalar_prefetch = 0 : i64, scratch_operands = 0 : i64, tpu.core_type = #tpu.core_type<tc>, window_params = [{transform_indices = @transform_0, window_bounds = array<i64: 400, 64, 64>}, {transform_indices = @transform_1, window_bounds = array<i64: 400, 64>}, {transform_indices = @transform_2, window_bounds = array<i64: 400, 64>}, {transform_indices = @transform_3, window_bounds = array<i64: 400, 128>}]} {
    %get3A = arith.constant 0 : index
    %get3A_0 = arith.constant 0 : index
    %get3A_1 = arith.constant 0 : index
    %get3A_2 = vector.load %arg1[%get3A, %get3A_0, %get3A_1] : memref<400x64x64xf32, #tpu.memory_space<vmem>>, vector<400x64x64xf32>
    %get3A_3 = arith.constant 0 : index
    %get3A_4 = arith.constant 0 : index
    %get3A_5 = vector.load %arg2[%get3A_3, %get3A_4] : memref<400x64xf32, #tpu.memory_space<vmem>>, vector<400x64xf32>
    %broadcast_in_dim3A = vector.shape_cast %get3A_5 : vector<400x64xf32> to vector<400x1x64xf32>
    %mul3A = vector.broadcast %broadcast_in_dim3A : vector<400x1x64xf32> to vector<400x64x64xf32>
    %mul3A_6 = arith.mulf %get3A_2, %mul3A : vector<400x64x64xf32>
    %reshape3A = vector.shape_cast %mul3A_6 : vector<400x64x64xf32> to vector<25600x64xf32>
    %broadcast_in_dim3A_7 = arith.constant 1.000000e+00 : f32
    %broadcast_in_dim3A_8 = vector.broadcast %broadcast_in_dim3A_7 : f32 to vector<64x64xf32>
    %dot_general3A = arith.constant dense<0.000000e+00> : vector<25600x64xf32>
    %dot_general3A_9 = tpu.matmul %reshape3A, %broadcast_in_dim3A_8, %dot_general3A {dimension_numbers = #tpu.dot_dimension_numbers<[1], [0], [0], [1], [0, 0, 1, 1], [], []>, transpose_lhs_hint = false} : vector<25600x64xf32>, vector<64x64xf32>, vector<25600x64xf32> -> vector<25600x64xf32>
    %reshape3A_10 = vector.shape_cast %dot_general3A_9 : vector<25600x64xf32> to vector<400x64x64xf32>
    %iota3A = tpu.iota {dimensions = array<i32: 0>} : vector<64x64xi32>
    %iota3A_11 = tpu.iota {dimensions = array<i32: 1>} : vector<64x64xi32>
    %add3A = arith.constant 0 : i32
    %add3A_12 = vector.broadcast %add3A : i32 to vector<64x64xi32>
    %add3A_13 = arith.addi %iota3A, %add3A_12 : vector<64x64xi32>
    %eq3A = arith.cmpi eq, %add3A_13, %iota3A_11 : vector<64x64xi32>
    %convert_element_type3A = arith.extui %eq3A : vector<64x64xi1> to vector<64x64xi32>
    %convert_element_type3A_14 = arith.sitofp %convert_element_type3A : vector<64x64xi32> to vector<64x64xf32>
    %broadcast_in_dim3A_15 = vector.shape_cast %convert_element_type3A_14 : vector<64x64xf32> to vector<1x64x64xf32>
    %mul3A_16 = vector.broadcast %broadcast_in_dim3A_15 : vector<1x64x64xf32> to vector<400x64x64xf32>
    %mul3A_17 = arith.mulf %reshape3A_10, %mul3A_16 : vector<400x64x64xf32>
    %reduce_sum3A = arith.constant dense<0.000000e+00> : vector<400x64xf32>
    %reduce_sum3A_18 = vector.multi_reduction <add>, %mul3A_17, %reduce_sum3A [1] : vector<400x64x64xf32> to vector<400x64xf32>
    %get3A_19 = arith.constant 0 : index
    %get3A_20 = arith.constant 0 : index
    %get3A_21 = vector.load %arg3[%get3A_19, %get3A_20] : memref<400x64xf32, #tpu.memory_space<vmem>>, vector<400x64xf32>
    %add3A_22 = arith.addf %reduce_sum3A_18, %get3A_21 : vector<400x64xf32>
    %broadcast_in_dim3A_23 = arith.constant 0.000000e+00 : f32
    %broadcast_in_dim3A_24 = vector.broadcast %broadcast_in_dim3A_23 : f32 to vector<400x64xf32>
    %concatenate3A = tpu.concatenate %add3A_22, %broadcast_in_dim3A_24 in 1 : vector<400x64xf32>, vector<400x64xf32> -> vector<400x128xf32>
    %swap3A = arith.constant 0 : index
    %swap3A_25 = arith.constant 0 : index
    %swap3A_26 = vector.load %arg4[%swap3A, %swap3A_25] : memref<400x128xf32, #tpu.memory_space<vmem>>, vector<400x128xf32>
    tpu.vector_store %arg4[%swap3A, %swap3A_25], %concatenate3A {strides = array<i32>} : memref<400x128xf32, #tpu.memory_space<vmem>>, vector<400x128xf32>,
    return
  }
  func.func @transform_0(%arg0: i32) -> (i32, i32, i32) {
    %c0_i32 = arith.constant 0 : i32
    %c0_i32_0 = arith.constant 0 : i32
    %c0_i32_1 = arith.constant 0 : i32
    return %arg0, %c0_i32, %c0_i32_0 : i32, i32, i32
  }
  func.func @transform_1(%arg0: i32) -> (i32, i32) {
    %c0_i32 = arith.constant 0 : i32
    %c0_i32_0 = arith.constant 0 : i32
    return %arg0, %c0_i32 : i32, i32
  }
  func.func @transform_2(%arg0: i32) -> (i32, i32) {
    %c0_i32 = arith.constant 0 : i32
    %c0_i32_0 = arith.constant 0 : i32
    return %arg0, %c0_i32 : i32, i32
  }
  func.func @transform_3(%arg0: i32) -> (i32, i32) {
    %c0_i32 = arith.constant 0 : i32
    %c0_i32_0 = arith.constant 0 : i32
    return %arg0, %c0_i32 : i32, i32
  }
}

</mosaic_0001>

<sc_bundles>
// kernel: kernel.5.cloned.1.call-start
scs
__scs_entry_jumppad:
0x0: {  	(pc) =	sbr.rel $0x88, $3  }
0x1: {  	(tag) =	ssettag $0x0;
	lr =	simm.s32 $0x1  }
0x2: {  	[smem:$0x3F9C] =	sst lr;
	_ =	strace $0xD0000000  }
0x3: {  	_ = 	snop  }
0x4: {  	_ = 	snop  }
0x5: {  	_ = 	snop  }
0x6: {  	_ = 	snop  }
0x7: {  	_ = 	snop  }
__scs_overlays_trampoline_lowered:
0x8: {  	[smem:$0x3FAB] =	sst s0  }
0x9: {  	[smem:$0x3FAC] =	sst s1  }
0xa: {  	[smem:$0x3FAD] =	sst s2  }
0xb: {  	[smem:$0x3FAE] =	sst s3  }
0xc: {  	[smem:$0x3FAF] =	sst s4  }
0xd: {  	[smem:$0x3FB0] =	sst s5  }
0xe: {  	[smem:$0x3FB1] =	sst s6  }
0xf: {  	[smem:$0x3FB2] =	sst s7  }
0x10: {  	[smem:$0x3FB3] =	sst s8  }
0x11: {  	[smem:$0x3FB4] =	sst s9;
	s0 =	simm.s32 @!p0 $0x0  }
0x12: {  	s1 =	sld [smem:$0x3F9A];
	s0 =	simm.s32 @p0 $0x1  }
0x13: {  	[smem:$0x3FB5] =	sst s0;
	s0 =	simm.s32 @!p1 $0x0  }
0x14: {  	s2 =	sld [smem:$0x3F99];
	s0 =	simm.s32 @p1 $0x1  }
0x15: {  	[smem:$0x3FB6] =	sst s0;
	s0 =	simm.s32 @!p2 $0x0  }
0x16: {  	s3 =	sld [smem:$0x3FDB];
	s0 =	simm.s32 @p2 $0x1  }
0x17: {  	s4 =	simm.s32 $0x1BF5;
	[smem:$0x3FB8] =	sst s0  }
0x18: {  	s0 =	sld [smem:$0x3F9B];
	_ =	swait.ge [sflag:s4], $0x0  }
0x19: {  	s7 =	sld [smem:$0x3F9C]  }
0x1a: {  	s8 =	sadd.s32 $0xFFFFE003, lr  }
0x1b: {  	s9 =	sadd.s32 $0xFFFFFEF7, lr;
	s5 =	simm.s32 $0xFFFFFFFF;
	p2 =	slt.u32 s8, $0xFFFFF086  }
0x1c: {  	p1 =	slt.u32 s9, $0xF7A;
	s5 =	simm.s32 @!p2 $0x0  }
0x1d: {  	s5 =	simm.s32 @p1 $0x1;
	p0 =	seq.s32 s7, s2  }
0x1e: {  	s7 =	smul.u32 @!p0 $0xF7A, s2;
	p2 =	seq.s32 @!p0 s5, $0x0  }
0x1f: {  	s9 =	smul.u32 $0xF7A, s1;
	s8 =	simm.s32 @!p0 $0x1BF5;
	p2 =	por !p2, p0  }
0x20: {  	[sflag:s8] =	ssyncset.s32 @!p0 $0xFFFFF086;
	s6 =	sadd.s32 @!p0 s3, s7;
	s7 =	simm.s32 @!p0 $0x108  }
0x21: {  	s3 =	sadd.s32 s3, s9;
	s6 =	sadd.s32 @!p0 $0x88, s6;
	s7 =	simm.s32 @p2 $0x1082  }
0x22: {  	[simem:s7], [sflag:s8] =	dma.local @!p0 [hbm:s6], $0xF7A  }
0x23: {  	s9 =	sor.u32 $0xD0000000, s2;
	s6 =	simm.s32 $0x108;
	_ =	swait.ge @!p0 [sflag:s8], $0x0  }
0x24: {  	s3 =	sadd.s32 $0x88, s3;
	s6 =	simm.s32 @!p1 $0x1082;
	[sflag:s4] =	ssyncset.s32 $0xFFFFF086  }
0x25: {  	[simem:s6], [sflag:s4] =	dma.local [hbm:s3], $0xF7A  }
0x26: {  	[smem:$0x3F9C] =	sst s1;
	(tag) =	ssettag s2;
	_ =	strace s9  }
0x27: {  	s1 =	sld [smem:$0x3FAC]  }
0x28: {  	s2 =	sld [smem:$0x3FAD]  }
0x29: {  	s4 =	sld [smem:$0x3FAF]  }
0x2a: {  	p0 =	seq.s32 s5, $0x0;
	s5 =	sld [smem:$0x3FB0]  }
0x2b: {  	s6 =	sld [smem:$0x3FB1]  }
0x2c: {  	s7 =	sld [smem:$0x3FB2]  }
0x2d: {  	s3 =	simm.s32 $0x108;
	s8 =	sld [smem:$0x3FB3]  }
0x2e: {  	s3 =	simm.s32 @!p0 $0x1082;
	s9 =	sld [smem:$0x3FB4]  }
0x2f: {  	lr =	sadd.s32 s0, s3;
	s0 =	sld [smem:$0x3FAB]  }
0x30: {  	s3 =	sld [smem:$0x3FAE]  }
0x31: {  	[smem:$0x3FB7] =	sst s10  }
0x32: {  	s10 =	sld [smem:$0x3FB5];
	_ =	sdelay $0x3  }
0x33: {  	p0 =	seq.s32 s10, $0x1;
	s10 =	sld [smem:$0x3FB7];
	_ =	sdelay $0x3  }
0x34: {  	[smem:$0x3FB7] =	sst s10  }
0x35: {  	s10 =	sld [smem:$0x3FB6];
	_ =	sdelay $0x3  }
0x36: {  	p1 =	seq.s32 s10, $0x1;
	s10 =	sld [smem:$0x3FB7];
	_ =	sdelay $0x3  }
0x37: {  	[smem:$0x3FB7] =	sst s10  }
0x38: {  	s10 =	sld [smem:$0x3FB8]  }
0x39: {  	_ = 	snop;
	(pc) =	sbr.ind lr, $3  }
0x3a: {  	_ = 	snop  }
0x3b: {  	_ = 	snop  }
0x3c: {  	p2 =	seq.s32 s10, $0x1;
	s10 =	sld [smem:$0x3FB7]  }
0x3d: {  	_ =	shalt  }
0x3e: {  	_ =	shalt  }
0x3f: {  	_ =	shalt  }
0x40: {  	_ =	shalt  }
0x41: {  	_ =	shalt  }
0x42: {  	_ =	shalt  }
0x43: {  	_ =	shalt  }
0x44: {  	_ =	shalt  }
0x45: {  	_ =	shalt  }
0x46: {  	_ =	shalt  }
0x47: {  	_ =	shalt  }
0x48: {  	_ =	shalt  }
0x49: {  	_ =	shalt  }
0x4a: {  	_ =	shalt  }
0x4b: {  	_ =	shalt  }
0x4c: {  	_ =	shalt  }
0x4d: {  	_ =	shalt  }
0x4e: {  	_ =	shalt  }
0x4f: {  	_ =	shalt  }
0x50: {  	_ =	shalt  }
0x51: {  	_ =	shalt  }
0x52: {  	_ =	shalt  }
0x53: {  	_ =	shalt  }
0x54: {  	_ =	shalt  }
0x55: {  	_ =	shalt  }
0x56: {  	_ =	shalt  }
0x57: {  	_ =	shalt  }
0x58: {  	_ =	shalt  }
0x59: {  	_ =	shalt  }
0x5a: {  	_ =	shalt  }
0x5b: {  	_ =	shalt  }
0x5c: {  	_ =	shalt  }
0x5d: {  	_ =	shalt  }
0x5e: {  	_ =	shalt  }
0x5f: {  	_ =	shalt  }
0x60: {  	_ =	shalt  }
0x61: {  	_ =	shalt  }
0x62: {  	_ =	shalt  }
0x63: {  	_ =	shalt  }
0x64: {  	_ =	shalt  }
0x65: {  	_ =	shalt  }
0x66: {  	_ =	shalt  }
0x67: {  	_ =	shalt  }
0x68: {  	_ =	shalt  }
0x69: {  	_ =	shalt  }
0x6a: {  	_ =	shalt  }
0x6b: {  	_ =	shalt  }
0x6c: {  	_ =	shalt  }
0x6d: {  	_ =	shalt  }
0x6e: {  	_ =	shalt  }
0x6f: {  	_ =	shalt  }
0x70: {  	_ =	shalt  }
0x71: {  	_ =	shalt  }
0x72: {  	_ =	shalt  }
0x73: {  	_ =	shalt  }
0x74: {  	_ =	shalt  }
0x75: {  	_ =	shalt  }
0x76: {  	_ =	shalt  }
0x77: {  	_ =	shalt  }
0x78: {  	_ =	shalt  }
0x79: {  	_ =	shalt  }
0x7a: {  	_ =	shalt  }
0x7b: {  	_ =	shalt  }
0x7c: {  	_ =	shalt  }
0x7d: {  	_ =	shalt  }
0x7e: {  	_ =	shalt  }
0x7f: {  	_ =	shalt  }
0x80: {  	_ =	shalt  }
0x81: {  	_ =	shalt  }
0x82: {  	_ =	shalt  }
0x83: {  	_ =	shalt  }
0x84: {  	_ =	shalt  }
0x85: {  	_ =	shalt  }
0x86: {  	_ =	shalt  }
0x87: {  	_ =	shalt  }
.Lfunc_end0:
.L_simem_size_0:
called_computation_lowered:
.L_overlay_start_0:
0x88: {  	s2 =	sld [smem:$0x3FD9]  }
0x89: {  	s3 =	sld [smem:$0x3FFE];
	_ =	sdelay $0x1  }
0x8a: {  	s1 =	srdreg.scid  }
0x8b: {  	s0 =	sand.u32 $0x1, s1  }
0x8c: {  	s17 =	sshll.u32 s0, $0xA;
	s2 =	sadd.s32 s3, s2  }
0x8d: {  	s2 =	sadd.s32 s2, s17  }
0x8e: {  	[smem:$0x3FC3] =	sst s2  }
0x8f: {  	_ = 	snop  }
0x90: {  	s2 =	sld [smem:$0x3FC9]  }
0x91: {  	s18 =	sld [smem:$0x3FC8];
	(tm) =	ssettm $0x1  }
0x92: {  	s4 =	sld [smem:$0x3FFB];
	_ =	sdelay $0x3  }
0x93: {  	_ =	strace s4  }
0x94: {  	s4 =	sld [smem:$0x3FFC];
	_ =	sdelay $0x3  }
0x95: {  	_ =	strace s4  }
0x96: {  	s4 =	sld [smem:$0x3FFD];
	_ =	sdelay $0x3  }
0x97: {  	_ =	strace s4  }
0x98: {  	_ =	strace $0x8FFFFFFF  }
0x99: {  	s19 =	sld [smem:$0x3FDB];
	_ =	sdelay $0x1  }
0x9a: {  	s5 =	simm.s32 $_scs_section_size  }
0x9b: {  	s6 =	simm.s32 $_size__tile_overlayer_lowered;
	s7 =	simm.s32 $_tile_overlayer_lowered  }
0x9c: {  	s22 =	simm.s32 $0x1BFF;
	s21 =	sshll.u32 s7, $0x1;
	s4 =	sadd.s32 s5, s19  }
0x9d: {  	s8 =	simm.s32 $0x0;
	s20 =	sshll.u32 s6, $0x1;
	s6 =	sadd.s32 s21, s4  }
0x9e: {  	[timem:s8], [sflag:s22] =	dma.local [hbm:s6], s20  }
0x9f: {  	_ =	swait.ge [sflag:s22], s20  }
0xa0: {  	s5 =	ssub.s32 $0x0, s20;
	[sflag:s22] =	ssyncset.done $0x0  }
0xa1: {  	[sflag:s22] =	ssyncadd.s32 s5;
	_ =	sdelay $0x1  }
0xa2: {  	s23 =	simm.s32 $0x1B8B  }
0xa3: {  	_ =	swait.ge [sflag:s23], $0x1  }
0xa4: {  	[sflag:s23] =	ssyncset.done $0x0  }
0xa5: {  	s25 =	simm.s32 $0x1B8E;
	s24 =	sld [smem:$0x3FFE];
	[sflag:s23] =	ssyncadd.s32 $0xFFFFFFFF  }
0xa6: {  	s26 =	simm.s32 $execute0_lowered;
	[smem:$0x3FD2] =	sst s25  }
0xa7: {  	s6 =	sshll.u32 s26, $0x1;
	_ =	strace $0x80000046;
	[dreg:$0x1] =	wrdreg $0xFFFFFFFF  }
0xa8: {  	s28 =	simm.s32 $_size_execute0_lowered;
	s4 =	sadd.s32 s4, s6;
	[dreg:$0x0] =	wrdreg $0x0  }
0xa9: {  	s6 =	sshll.u32 s28, $0x1;
	[dreg:$0x2] =	wrdreg s4  }
0xaa: {  	[dreg:$0x3] =	wrdreg s6  }
0xab: {  	[dreg:$0x4] =	wrdreg $0xC0  }
0xac: {  	_ =	task [dreg:s8], $0x5FFFF  }
0xad: {  	[dreg:$0x1] =	wrdreg $0xFFFFFFFF  }
0xae: {  	[dreg:$0x0] =	wrdreg $0x60  }
0xaf: {  	[dreg:$0x2] =	wrdreg s2  }
0xb0: {  	[dreg:$0x3] =	wrdreg s18  }
0xb1: {  	[dreg:$0x4] =	wrdreg s24  }
0xb2: {  	[dreg:$0x5] =	wrdreg $0x9  }
0xb3: {  	_ =	task.clear_ibuf [dreg:s8], $0x6FFFF;
	_ =	strace $0x90000046  }
0xb4: {  	s29 =	simm.s32 $0x9;
	_ =	strace $0x80000048  }
0xb5: {  	_ =	swait.ge [sflag:s29], $0x1  }
0xb6: {  	[sflag:s29] =	ssyncadd.s32 $0xFFFFFFFF  }
0xb7: {  	_ =	strace $0x90000048  }
0xb8: {  	_ =	sfence  }
0xb9: {  	s30 =	sld [smem:$0x0];
	_ =	sdelay $0x2  }
0xba: {  	s31 =	sshll.u32 s1, $0xD;
	s1 =	sshrl.u32 s1, $0x2  }
0xbb: {  	s3 =	sand.u32 $0x4000, s31;
	s1 =	sadd.s32 s1, s30  }
0xbc: {  	s0 =	sor.u32 s3, s0;
	s1 =	sshll.u32 s1, $0x11  }
0xbd: {  	s0 =	sor.u32 s1, s0  }
0xbe: {  	s0 =	sadd.s32 $0x8F2B, s0  }
0xbf: {  	[sflag:s0] =	ssyncadd.remote.s32 $0x1  }
0xc0: {  	_ =	sfence.sel $0xFFFF  }
0xc1: {  	[dreg:$0x0] =	wrdreg $0xFFFFFFFF;
	(pc) =	sbr.abs _section_cstart, $3  }
0xc2: {  	[dreg:$0x1] =	wrdreg $0xFFFFFFFF  }
0xc3: {  	_ =	task.clear_ibuf [dreg:s8], $0x2FFFF;
	_ =	strace $0x9FFFFFFF  }
0xc4: {  	(tm) =	ssettm $0x7FFFFFFF  }
0xc5: {  	_ =	shalt  }
tec
execute0_lowered:
.L_overlay_start_1:
0x0: {  	(tag) =	ssettag $0x1  }
0x1: {  	s1 =	srdreg.scid;
	s0 =	stileid.u32  }
0x2: {  	s17 =	sand.u32 $0x1, s1;
	s29 =	sshll.u32 s0, $0x1  }
0x3: {  	s4 =	rddreg [dreg:$0x0];
	s1 =	sor.u32 s17, s29  }
0x4: {  	s2 =	rddreg [dreg:$0x1];
	s5 =	smul.u32 $0x278, s1  }
0x5: {  	s18 =	rddreg [dreg:$0x2];
	s3 =	simm.s32 $0x0  }
0x6: {  	[smem:$0x7FF] =	sst s3;
	s5 =	smin.u32 s5, $0x4BA8  }
0x7: {  	s1 =	rddreg [dreg:$0x3];
	s19 =	sshrl.u32 s5, $0x3  }
0x8: {  	_ =	strace $0x80000047;
	s5 =	sadd.s32 s4, s19;
	s4 =	simm.s32 $0x2  }
0x9: {  	[tilespmem:s3], [sflag:$0x2] =	stream.linear.gather [hbm4b:s5+s3], $0x278, $0x38;
	[tilespmem:$0x500] =	vst v63  }
0xa: {  	_ =	swait.ge [sflag:s4], $0x278  }
0xb: {  	[sflag:s4] =	ssyncset.done $0x0  }
0xc: {  	s6 =	simm.s32 $0x80;
	s7 =	simm.s32 $0x280;
	[sflag:s4] =	ssyncadd.s32 $0xFFFFFD88  }
0xd: {  	[tilespmem:s7], [sflag:$0x1] =	stream.indirect.gather [hbm4b:s2+s6], $0x1, s3, s6, $0xb8;
	[tilespmem:$0x500] =	vst v63  }
0xe: {  	s8 =	simm.s32 $0x300  }
0xf: {  	[tilespmem:s8], [sflag:$0x1] =	stream.indirect.gather [hbm4b:s2+s6], $0x1, s6, s6, $0xb8;
	[tilespmem:$0x500] =	vst v63  }
0x10: {  	s9 =	simm.s32 $0x100;
	s10 =	simm.s32 $0x380  }
0x11: {  	[tilespmem:s10], [sflag:$0x1] =	stream.indirect.gather [hbm4b:s2+s6], $0x1, s9, s6, $0xb8;
	[tilespmem:$0x500] =	vst v63  }
0x12: {  	s11 =	simm.s32 $0x180;
	s12 =	simm.s32 $0x400;
	s13 =	simm.s32 $0x78  }
0x13: {  	[tilespmem:s12], [sflag:$0x1] =	stream.indirect.gather [hbm4b:s2+s6], $0x1, s11, s6, $0xb8;
	[tilespmem:$0x500] =	vst v63  }
0x14: {  	s14 =	simm.s32 $0x200;
	s15 =	simm.s32 $0x480;
	s16 =	simm.s32 $0x1  }
0x15: {  	[tilespmem:s15], [sflag:$0x1] =	stream.indirect.gather [hbm4b:s2+s13], $0x1, s14, s13, $0xb8;
	[tilespmem:$0x500] =	vst v63  }
0x16: {  	_ =	swait.ge [sflag:s16], $0x80  }
0x17: {  	[sflag:s16] =	ssyncset.done $0x0  }
0x18: {  	[sflag:s16] =	ssyncadd.s32 $0xFFFFFF80  }
0x19: {  	_ =	swait.ge [sflag:s16], $0x80  }
0x1a: {  	[sflag:s16] =	ssyncset.done $0x0  }
0x1b: {  	[sflag:s16] =	ssyncadd.s32 $0xFFFFFF80  }
0x1c: {  	_ =	swait.ge [sflag:s16], $0x80  }
0x1d: {  	[sflag:s16] =	ssyncset.done $0x0  }
0x1e: {  	s17 =	ssub.s32 $0x2, s17;
	[sflag:s16] =	ssyncadd.s32 $0xFFFFFF80  }
0x1f: {  	s20 =	sshrl.u32 s17, $0x1;
	_ =	swait.ge [sflag:s16], $0x80  }
0x20: {  	s30 =	ssub.s32 s17, s20;
	[sflag:s16] =	ssyncset.done $0x0  }
0x21: {  	s31 =	smax.u32 s30, $0x1;
	[sflag:s16] =	ssyncadd.s32 $0xFFFFFF80  }
0x22: {  	p0 =	sne.s32 s31, $0x1;
	_ =	swait.ge [sflag:s16], $0x78  }
.Ltmp0:
0x23: {  	s18 =	sadd.s32 s19, s18;
	[sflag:s16] =	ssyncset.done $0x0;
	(pc) =	sbr.rel @!p0 .LBB2_2-.Ltmp0, $4  }
0x24: {  	s17 =	sadd.s32 $0xE00, s18;
	[sflag:s16] =	ssyncadd.s32 $0xFFFFFF88  }
0x25: {  	[hbm4b:s17+s3] =	stream.linear.scatter [tilespmem:s7], [sflag:$0x2], $0x278, $0x38;
	[tilespmem:$0x500] =	vst v63  }
0x26: {  	_ =	swait.ge [sflag:s4], $0x278  }
0x27: {  	s18 =	sadd.s32 $0xFFFFFFFF, s31;
	[sflag:s4] =	ssyncset.done $0x0  }
.LBB2_1:
0x28: {  	p0 =	sne.s32 s18, $0x1;
	s18 =	sadd.s32 $0xFFFFFFFF, s18;
	[sflag:s4] =	ssyncadd.s32 $0xFFFFFD88  }
0x29: {  	[tilespmem:s3], [sflag:$0x2] =	stream.linear.gather [hbm4b:s5+s3], $0x278, $0x38;
	[tilespmem:$0x500] =	vst v63  }
0x2a: {  	_ =	swait.ge [sflag:s4], $0x278  }
0x2b: {  	[sflag:s4] =	ssyncset.done $0x0  }
0x2c: {  	[sflag:s4] =	ssyncadd.s32 $0xFFFFFD88  }
0x2d: {  	[tilespmem:s7], [sflag:$0x1] =	stream.indirect.gather [hbm4b:s2+s6], $0x1, s3, s6, $0xb8;
	[tilespmem:$0x500] =	vst v63  }
0x2e: {  	_ = 	snop  }
0x2f: {  	[tilespmem:s8], [sflag:$0x1] =	stream.indirect.gather [hbm4b:s2+s6], $0x1, s6, s6, $0xb8;
	[tilespmem:$0x500] =	vst v63  }
0x30: {  	_ = 	snop  }
0x31: {  	[tilespmem:s10], [sflag:$0x1] =	stream.indirect.gather [hbm4b:s2+s6], $0x1, s9, s6, $0xb8;
	[tilespmem:$0x500] =	vst v63  }
0x32: {  	_ = 	snop  }
0x33: {  	[tilespmem:s12], [sflag:$0x1] =	stream.indirect.gather [hbm4b:s2+s6], $0x1, s11, s6, $0xb8;
	[tilespmem:$0x500] =	vst v63  }
0x34: {  	_ = 	snop  }
0x35: {  	[tilespmem:s15], [sflag:$0x1] =	stream.indirect.gather [hbm4b:s2+s13], $0x1, s14, s13, $0xb8;
	[tilespmem:$0x500] =	vst v63  }
0x36: {  	_ =	swait.ge [sflag:s16], $0x80  }
0x37: {  	[sflag:s16] =	ssyncset.done $0x0  }
0x38: {  	[sflag:s16] =	ssyncadd.s32 $0xFFFFFF80  }
0x39: {  	_ =	swait.ge [sflag:s16], $0x80  }
0x3a: {  	[sflag:s16] =	ssyncset.done $0x0  }
0x3b: {  	[sflag:s16] =	ssyncadd.s32 $0xFFFFFF80  }
0x3c: {  	_ =	swait.ge [sflag:s16], $0x80  }
0x3d: {  	[sflag:s16] =	ssyncset.done $0x0  }
0x3e: {  	[sflag:s16] =	ssyncadd.s32 $0xFFFFFF80  }
0x3f: {  	_ =	swait.ge [sflag:s16], $0x80  }
0x40: {  	[sflag:s16] =	ssyncset.done $0x0  }
0x41: {  	[sflag:s16] =	ssyncadd.s32 $0xFFFFFF80  }
0x42: {  	_ =	swait.ge [sflag:s16], $0x78  }
.Ltmp1:
0x43: {  	[sflag:s16] =	ssyncset.done $0x0;
	(pc) =	sbr.rel @p0 .LBB2_1-.Ltmp1, $4  }
0x44: {  	[sflag:s16] =	ssyncadd.s32 $0xFFFFFF88  }
0x45: {  	[hbm4b:s17+s3] =	stream.linear.scatter [tilespmem:s7], [sflag:$0x2], $0x278, $0x38;
	[tilespmem:$0x500] =	vst v63  }
0x46: {  	_ =	swait.ge [sflag:s4], $0x278  }
0x47: {  	[sflag:s4] =	ssyncset.done $0x0  }
.LBB2_2:
0x48: {  	[sflag:s4] =	ssyncadd.s32 $0xFFFFFD88  }
0x49: {  	_ =	sfence.sel $0x180000  }
0x4a: {  	[bflag:$0x0] =	sbarrier.arrive $0xFFFF  }
0x4b: {  	p0 =	sne.s32 s0, $0x0;
	_ =	strace $0x90000047  }
0x4c: {  	s0 =	sadd.s32 @!p0 $0x100000, s1;
	[bflag:$0x2] =	sbarrier.arrive $0xFFFF  }
0x4d: {  	[sflag:s0] =	ssyncadd.tile.s32 @!p0 $0x1;
	_ =	shalt  }
.Lfunc_end2:
_tile_overlayer_lowered:
.L_overlay_start_2:
0x4e: {  	(tag) =	ssettag $0x2  }
0x4f: {  	s0 =	rddreg [dreg:$0x0];
	s2 =	stileid.u32  }
0x50: {  	s1 =	rddreg [dreg:$0x1];
	p0 =	sne.s32 s2, $0x0  }
0x51: {  	s3 =	rddreg [dreg:$0x2];
	[bflag:$0x3] =	sbarrier.arrive $0xFFFF;
	s2 =	simm.s32 @!p0 $0x1C02  }
0x52: {  	[timem:s3], [sflag:s2] =	dma.local @!p0 [hbm:s0], s1  }
0x53: {  	s0 =	simm.s32 @!p0 $0x2  }
0x54: {  	_ =	swait.ge @!p0 [sflag:s0], s1  }
0x55: {  	s1 =	ssub.s32 @!p0 $0x0, s1;
	[sflag:s0] =	ssyncset.done @!p0 $0x0  }
0x56: {  	[sflag:s0] =	ssyncadd.s32 @!p0 s1  }
0x57: {  	[bflag:$0x3] =	sbarrier.arrive $0xFFFF  }
0x58: {  	_ =	shalt  }

// kernel: kernel.8.cloned.1.call-start
scs
__scs_entry_jumppad:
0x0: {  	(pc) =	sbr.rel $0x88, $3  }
0x1: {  	(tag) =	ssettag $0x0;
	lr =	simm.s32 $0x1  }
0x2: {  	[smem:$0x3F9C] =	sst lr;
	_ =	strace $0xD0000000  }
0x3: {  	_ = 	snop  }
0x4: {  	_ = 	snop  }
0x5: {  	_ = 	snop  }
0x6: {  	_ = 	snop  }
0x7: {  	_ = 	snop  }
__scs_overlays_trampoline_lowered:
0x8: {  	[smem:$0x3FAB] =	sst s0  }
0x9: {  	[smem:$0x3FAC] =	sst s1  }
0xa: {  	[smem:$0x3FAD] =	sst s2  }
0xb: {  	[smem:$0x3FAE] =	sst s3  }
0xc: {  	[smem:$0x3FAF] =	sst s4  }
0xd: {  	[smem:$0x3FB0] =	sst s5  }
0xe: {  	[smem:$0x3FB1] =	sst s6  }
0xf: {  	[smem:$0x3FB2] =	sst s7  }
0x10: {  	[smem:$0x3FB3] =	sst s8  }
0x11: {  	[smem:$0x3FB4] =	sst s9;
	s0 =	simm.s32 @!p0 $0x0  }
0x12: {  	s1 =	sld [smem:$0x3F9A];
	s0 =	simm.s32 @p0 $0x1  }
0x13: {  	[smem:$0x3FB5] =	sst s0;
	s0 =	simm.s32 @!p1 $0x0  }
0x14: {  	s2 =	sld [smem:$0x3F99];
	s0 =	simm.s32 @p1 $0x1  }
0x15: {  	[smem:$0x3FB6] =	sst s0;
	s0 =	simm.s32 @!p2 $0x0  }
0x16: {  	s3 =	sld [smem:$0x3FDB];
	s0 =	simm.s32 @p2 $0x1  }
0x17: {  	s4 =	simm.s32 $0x1BF5;
	[smem:$0x3FB8] =	sst s0  }
0x18: {  	s0 =	sld [smem:$0x3F9B];
	_ =	swait.ge [sflag:s4], $0x0  }
0x19: {  	s7 =	sld [smem:$0x3F9C]  }
0x1a: {  	s8 =	sadd.s32 $0xFFFFE003, lr  }
0x1b: {  	s9 =	sadd.s32 $0xFFFFFEF7, lr;
	s5 =	simm.s32 $0xFFFFFFFF;
	p2 =	slt.u32 s8, $0xFFFFF086  }
0x1c: {  	p1 =	slt.u32 s9, $0xF7A;
	s5 =	simm.s32 @!p2 $0x0  }
0x1d: {  	s5 =	simm.s32 @p1 $0x1;
	p0 =	seq.s32 s7, s2  }
0x1e: {  	s7 =	smul.u32 @!p0 $0xF7A, s2;
	p2 =	seq.s32 @!p0 s5, $0x0  }
0x1f: {  	s9 =	smul.u32 $0xF7A, s1;
	s8 =	simm.s32 @!p0 $0x1BF5;
	p2 =	por !p2, p0  }
0x20: {  	[sflag:s8] =	ssyncset.s32 @!p0 $0xFFFFF086;
	s6 =	sadd.s32 @!p0 s3, s7;
	s7 =	simm.s32 @!p0 $0x108  }
0x21: {  	s3 =	sadd.s32 s3, s9;
	s6 =	sadd.s32 @!p0 $0x88, s6;
	s7 =	simm.s32 @p2 $0x1082  }
0x22: {  	[simem:s7], [sflag:s8] =	dma.local @!p0 [hbm:s6], $0xF7A  }
0x23: {  	s9 =	sor.u32 $0xD0000000, s2;
	s6 =	simm.s32 $0x108;
	_ =	swait.ge @!p0 [sflag:s8], $0x0  }
0x24: {  	s3 =	sadd.s32 $0x88, s3;
	s6 =	simm.s32 @!p1 $0x1082;
	[sflag:s4] =	ssyncset.s32 $0xFFFFF086  }
0x25: {  	[simem:s6], [sflag:s4] =	dma.local [hbm:s3], $0xF7A  }
0x26: {  	[smem:$0x3F9C] =	sst s1;
	(tag) =	ssettag s2;
	_ =	strace s9  }
0x27: {  	s1 =	sld [smem:$0x3FAC]  }
0x28: {  	s2 =	sld [smem:$0x3FAD]  }
0x29: {  	s4 =	sld [smem:$0x3FAF]  }
0x2a: {  	p0 =	seq.s32 s5, $0x0;
	s5 =	sld [smem:$0x3FB0]  }
0x2b: {  	s6 =	sld [smem:$0x3FB1]  }
0x2c: {  	s7 =	sld [smem:$0x3FB2]  }
0x2d: {  	s3 =	simm.s32 $0x108;
	s8 =	sld [smem:$0x3FB3]  }
0x2e: {  	s3 =	simm.s32 @!p0 $0x1082;
	s9 =	sld [smem:$0x3FB4]  }
0x2f: {  	lr =	sadd.s32 s0, s3;
	s0 =	sld [smem:$0x3FAB]  }
0x30: {  	s3 =	sld [smem:$0x3FAE]  }
0x31: {  	[smem:$0x3FB7] =	sst s10  }
0x32: {  	s10 =	sld [smem:$0x3FB5];
	_ =	sdelay $0x3  }
0x33: {  	p0 =	seq.s32 s10, $0x1;
	s10 =	sld [smem:$0x3FB7];
	_ =	sdelay $0x3  }
0x34: {  	[smem:$0x3FB7] =	sst s10  }
0x35: {  	s10 =	sld [smem:$0x3FB6];
	_ =	sdelay $0x3  }
0x36: {  	p1 =	seq.s32 s10, $0x1;
	s10 =	sld [smem:$0x3FB7];
	_ =	sdelay $0x3  }
0x37: {  	[smem:$0x3FB7] =	sst s10  }
0x38: {  	s10 =	sld [smem:$0x3FB8]  }
0x39: {  	_ = 	snop;
	(pc) =	sbr.ind lr, $3  }
0x3a: {  	_ = 	snop  }
0x3b: {  	_ = 	snop  }
0x3c: {  	p2 =	seq.s32 s10, $0x1;
	s10 =	sld [smem:$0x3FB7]  }
0x3d: {  	_ =	shalt  }
0x3e: {  	_ =	shalt  }
0x3f: {  	_ =	shalt  }
0x40: {  	_ =	shalt  }
0x41: {  	_ =	shalt  }
0x42: {  	_ =	shalt  }
0x43: {  	_ =	shalt  }
0x44: {  	_ =	shalt  }
0x45: {  	_ =	shalt  }
0x46: {  	_ =	shalt  }
0x47: {  	_ =	shalt  }
0x48: {  	_ =	shalt  }
0x49: {  	_ =	shalt  }
0x4a: {  	_ =	shalt  }
0x4b: {  	_ =	shalt  }
0x4c: {  	_ =	shalt  }
0x4d: {  	_ =	shalt  }
0x4e: {  	_ =	shalt  }
0x4f: {  	_ =	shalt  }
0x50: {  	_ =	shalt  }
0x51: {  	_ =	shalt  }
0x52: {  	_ =	shalt  }
0x53: {  	_ =	shalt  }
0x54: {  	_ =	shalt  }
0x55: {  	_ =	shalt  }
0x56: {  	_ =	shalt  }
0x57: {  	_ =	shalt  }
0x58: {  	_ =	shalt  }
0x59: {  	_ =	shalt  }
0x5a: {  	_ =	shalt  }
0x5b: {  	_ =	shalt  }
0x5c: {  	_ =	shalt  }
0x5d: {  	_ =	shalt  }
0x5e: {  	_ =	shalt  }
0x5f: {  	_ =	shalt  }
0x60: {  	_ =	shalt  }
0x61: {  	_ =	shalt  }
0x62: {  	_ =	shalt  }
0x63: {  	_ =	shalt  }
0x64: {  	_ =	shalt  }
0x65: {  	_ =	shalt  }
0x66: {  	_ =	shalt  }
0x67: {  	_ =	shalt  }
0x68: {  	_ =	shalt  }
0x69: {  	_ =	shalt  }
0x6a: {  	_ =	shalt  }
0x6b: {  	_ =	shalt  }
0x6c: {  	_ =	shalt  }
0x6d: {  	_ =	shalt  }
0x6e: {  	_ =	shalt  }
0x6f: {  	_ =	shalt  }
0x70: {  	_ =	shalt  }
0x71: {  	_ =	shalt  }
0x72: {  	_ =	shalt  }
0x73: {  	_ =	shalt  }
0x74: {  	_ =	shalt  }
0x75: {  	_ =	shalt  }
0x76: {  	_ =	shalt  }
0x77: {  	_ =	shalt  }
0x78: {  	_ =	shalt  }
0x79: {  	_ =	shalt  }
0x7a: {  	_ =	shalt  }
0x7b: {  	_ =	shalt  }
0x7c: {  	_ =	shalt  }
0x7d: {  	_ =	shalt  }
0x7e: {  	_ =	shalt  }
0x7f: {  	_ =	shalt  }
0x80: {  	_ =	shalt  }
0x81: {  	_ =	shalt  }
0x82: {  	_ =	shalt  }
0x83: {  	_ =	shalt  }
0x84: {  	_ =	shalt  }
0x85: {  	_ =	shalt  }
0x86: {  	_ =	shalt  }
0x87: {  	_ =	shalt  }
.Lfunc_end0:
.L_simem_size_0:
called_computation.1_lowered:
.L_overlay_start_0:
0x88: {  	s2 =	sld [smem:$0x3FD9]  }
0x89: {  	s3 =	sld [smem:$0x3FFE];
	_ =	sdelay $0x1  }
0x8a: {  	s1 =	srdreg.scid  }
0x8b: {  	s0 =	sand.u32 $0x1, s1  }
0x8c: {  	s17 =	sshll.u32 s0, $0xA;
	s2 =	sadd.s32 s3, s2  }
0x8d: {  	s2 =	sadd.s32 s2, s17  }
0x8e: {  	[smem:$0x3FC3] =	sst s2  }
0x8f: {  	_ = 	snop  }
0x90: {  	s2 =	sld [smem:$0x3FD0];
	(tm) =	ssettm $0x1  }
0x91: {  	s18 =	sld [smem:$0x3FFB];
	_ =	sdelay $0x3  }
0x92: {  	_ =	strace s18  }
0x93: {  	s3 =	sld [smem:$0x3FFC];
	_ =	sdelay $0x3  }
0x94: {  	_ =	strace s3  }
0x95: {  	s3 =	sld [smem:$0x3FFD];
	_ =	sdelay $0x3  }
0x96: {  	_ =	strace s3  }
0x97: {  	_ =	strace $0x8FFFFFFF  }
0x98: {  	s19 =	sld [smem:$0x3FDB];
	_ =	sdelay $0x1  }
0x99: {  	s4 =	simm.s32 $_scs_section_size  }
0x9a: {  	s5 =	simm.s32 $_size__tile_overlayer_lowered;
	s6 =	simm.s32 $_tile_overlayer_lowered  }
0x9b: {  	s22 =	simm.s32 $0x1BFF;
	s21 =	sshll.u32 s6, $0x1;
	s3 =	sadd.s32 s4, s19  }
0x9c: {  	s7 =	simm.s32 $0x0;
	s20 =	sshll.u32 s5, $0x1;
	s5 =	sadd.s32 s21, s3  }
0x9d: {  	[timem:s7], [sflag:s22] =	dma.local [hbm:s5], s20  }
0x9e: {  	_ =	swait.ge [sflag:s22], s20  }
0x9f: {  	s4 =	ssub.s32 $0x0, s20;
	[sflag:s22] =	ssyncset.done $0x0  }
0xa0: {  	[sflag:s22] =	ssyncadd.s32 s4;
	_ =	sdelay $0x1  }
0xa1: {  	s23 =	simm.s32 $0x1B8B  }
0xa2: {  	_ =	swait.ge [sflag:s23], $0x1  }
0xa3: {  	[sflag:s23] =	ssyncset.done $0x0  }
0xa4: {  	s25 =	simm.s32 $0x1B8E;
	s24 =	sld [smem:$0x3FFE];
	[sflag:s23] =	ssyncadd.s32 $0xFFFFFFFF  }
0xa5: {  	s26 =	simm.s32 $execute0_lowered;
	[smem:$0x3FD2] =	sst s25  }
0xa6: {  	s5 =	sshll.u32 s26, $0x1;
	_ =	strace $0x80000049;
	[dreg:$0x1] =	wrdreg $0xFFFFFFFF  }
0xa7: {  	s28 =	simm.s32 $_size_execute0_lowered;
	s3 =	sadd.s32 s3, s5;
	[dreg:$0x0] =	wrdreg $0x0  }
0xa8: {  	s5 =	sshll.u32 s28, $0x1;
	[dreg:$0x2] =	wrdreg s3  }
0xa9: {  	[dreg:$0x3] =	wrdreg s5  }
0xaa: {  	[dreg:$0x4] =	wrdreg $0xC0  }
0xab: {  	_ =	task [dreg:s7], $0x5FFFF  }
0xac: {  	[dreg:$0x1] =	wrdreg $0xFFFFFFFF  }
0xad: {  	[dreg:$0x0] =	wrdreg $0x60  }
0xae: {  	[dreg:$0x2] =	wrdreg s24  }
0xaf: {  	[dreg:$0x3] =	wrdreg s2  }
0xb0: {  	[dreg:$0x4] =	wrdreg $0x9  }
0xb1: {  	_ =	task.clear_ibuf [dreg:s7], $0x5FFFF;
	_ =	strace $0x90000049  }
0xb2: {  	s29 =	simm.s32 $0x9;
	_ =	strace $0x8000004B  }
0xb3: {  	_ =	swait.ge [sflag:s29], $0x1  }
0xb4: {  	[sflag:s29] =	ssyncadd.s32 $0xFFFFFFFF  }
0xb5: {  	_ =	strace $0x9000004B  }
0xb6: {  	_ =	sfence  }
0xb7: {  	s30 =	sld [smem:$0x0];
	_ =	sdelay $0x2  }
0xb8: {  	s31 =	sshll.u32 s1, $0xD;
	s1 =	sshrl.u32 s1, $0x2  }
0xb9: {  	s3 =	sand.u32 $0x4000, s31;
	s1 =	sadd.s32 s1, s30  }
0xba: {  	s0 =	sor.u32 s3, s0;
	s1 =	sshll.u32 s1, $0x11  }
0xbb: {  	s0 =	sor.u32 s1, s0  }
0xbc: {  	s0 =	sadd.s32 $0x8F2B, s0  }
0xbd: {  	[sflag:s0] =	ssyncadd.remote.s32 $0x1  }
0xbe: {  	_ =	sfence.sel $0xFFFF  }
0xbf: {  	[dreg:$0x0] =	wrdreg $0xFFFFFFFF;
	(pc) =	sbr.abs _section_cstart, $3  }
0xc0: {  	[dreg:$0x1] =	wrdreg $0xFFFFFFFF  }
0xc1: {  	_ =	task.clear_ibuf [dreg:s7], $0x2FFFF;
	_ =	strace $0x9FFFFFFF  }
0xc2: {  	(tm) =	ssettm $0x7FFFFFFF  }
0xc3: {  	_ =	shalt  }
tec
execute0_lowered:
.L_overlay_start_1:
0x0: {  	(tag) =	ssettag $0x1  }
0x1: {  	s1 =	srdreg.scid;
	s0 =	stileid.u32  }
0x2: {  	s17 =	sand.u32 $0x1, s1;
	s29 =	sshll.u32 s0, $0x1  }
0x3: {  	s1 =	sor.u32 s17, s29  }
0x4: {  	s1 =	smul.u32 $0x278, s1  }
0x5: {  	s18 =	rddreg [dreg:$0x0]  }
0x6: {  	s2 =	rddreg [dreg:$0x1];
	s3 =	simm.s32 $0x0;
	s19 =	smin.u32 s1, $0x4BA8  }
0x7: {  	[smem:$0x7FF] =	sst s3;
	s4 =	sshrl.u32 s19, $0x3  }
0x8: {  	s1 =	rddreg [dreg:$0x2];
	s4 =	sadd.s32 s4, s18  }
0x9: {  	_ =	strace $0x8000004A;
	s5 =	sadd.s32 $0xE00, s4;
	s4 =	simm.s32 $0x2  }
0xa: {  	[tilespmem:s3], [sflag:$0x2] =	stream.linear.gather [hbm4b:s5+s3], $0x278, $0x38;
	[tilespmem:$0x13E80] =	vst v63  }
0xb: {  	_ =	swait.ge [sflag:s4], $0x278  }
0xc: {  	[sflag:s4] =	ssyncset.done $0x0  }
0xd: {  	s6 =	simm.s32 $0x80;
	s7 =	simm.s32 $0x280;
	[sflag:s4] =	ssyncadd.s32 $0xFFFFFD88  }
0xe: {  	[tilespmem:s7], [sflag:$0x1] =	stream.indirect.gather [hbm4b:s2+s6], $0x80, s3, s6, $0xb8;
	[tilespmem:$0x13E80] =	vst v63  }
0xf: {  	s8 =	simm.s32 $0x4280  }
0x10: {  	[tilespmem:s8], [sflag:$0x1] =	stream.indirect.gather [hbm4b:s2+s6], $0x80, s6, s6, $0xb8;
	[tilespmem:$0x13E80] =	vst v63  }
0x11: {  	s9 =	simm.s32 $0x100;
	s10 =	simm.s32 $0x8280  }
0x12: {  	[tilespmem:s10], [sflag:$0x1] =	stream.indirect.gather [hbm4b:s2+s6], $0x80, s9, s6, $0xb8;
	[tilespmem:$0x13E80] =	vst v63  }
0x13: {  	s11 =	simm.s32 $0x180;
	s12 =	simm.s32 $0xC280;
	s13 =	simm.s32 $0x78  }
0x14: {  	[tilespmem:s12], [sflag:$0x1] =	stream.indirect.gather [hbm4b:s2+s6], $0x80, s11, s6, $0xb8;
	[tilespmem:$0x13E80] =	vst v63  }
0x15: {  	s14 =	simm.s32 $0x200;
	s15 =	simm.s32 $0x10280;
	s16 =	simm.s32 $0x1  }
0x16: {  	[tilespmem:s15], [sflag:$0x1] =	stream.indirect.gather [hbm4b:s2+s13], $0x80, s14, s13, $0xb8;
	[tilespmem:$0x13E80] =	vst v63  }
0x17: {  	_ =	swait.ge [sflag:s16], $0x4000  }
0x18: {  	[sflag:s16] =	ssyncset.done $0x0  }
0x19: {  	[sflag:s16] =	ssyncadd.s32 $0xFFFFC000  }
0x1a: {  	_ =	swait.ge [sflag:s16], $0x4000  }
0x1b: {  	[sflag:s16] =	ssyncset.done $0x0  }
0x1c: {  	[sflag:s16] =	ssyncadd.s32 $0xFFFFC000  }
0x1d: {  	_ =	swait.ge [sflag:s16], $0x4000  }
0x1e: {  	[sflag:s16] =	ssyncset.done $0x0  }
0x1f: {  	s17 =	ssub.s32 $0x2, s17;
	[sflag:s16] =	ssyncadd.s32 $0xFFFFC000  }
0x20: {  	s20 =	sshrl.u32 s17, $0x1;
	_ =	swait.ge [sflag:s16], $0x4000  }
0x21: {  	s30 =	ssub.s32 s17, s20;
	[sflag:s16] =	ssyncset.done $0x0  }
0x22: {  	s31 =	smax.u32 s30, $0x1;
	[sflag:s16] =	ssyncadd.s32 $0xFFFFC000  }
0x23: {  	s19 =	sshll.u32 s19, $0x4;
	p0 =	sne.s32 s31, $0x1;
	_ =	swait.ge [sflag:s16], $0x3C00  }
.Ltmp0:
0x24: {  	s18 =	sadd.s32 s19, s18;
	[sflag:s16] =	ssyncset.done $0x0;
	(pc) =	sbr.rel @!p0 .LBB2_2-.Ltmp0, $4  }
0x25: {  	s17 =	sadd.s32 $0x1800, s18;
	[sflag:s16] =	ssyncadd.s32 $0xFFFFC400  }
0x26: {  	[hbm4b:s17+s3] =	stream.linear.scatter [tilespmem:s7], [sflag:$0x2], $0x13C00, $0x38;
	[tilespmem:$0x13E80] =	vst v63  }
0x27: {  	_ =	swait.ge [sflag:s4], $0x13C00  }
0x28: {  	s18 =	sadd.s32 $0xFFFFFFFF, s31;
	[sflag:s4] =	ssyncset.done $0x0  }
.LBB2_1:
0x29: {  	p0 =	sne.s32 s18, $0x1;
	s18 =	sadd.s32 $0xFFFFFFFF, s18;
	[sflag:s4] =	ssyncadd.s32 $0xFFFEC400  }
0x2a: {  	[tilespmem:s3], [sflag:$0x2] =	stream.linear.gather [hbm4b:s5+s3], $0x278, $0x38;
	[tilespmem:$0x13E80] =	vst v63  }
0x2b: {  	_ =	swait.ge [sflag:s4], $0x278  }
0x2c: {  	[sflag:s4] =	ssyncset.done $0x0  }
0x2d: {  	[sflag:s4] =	ssyncadd.s32 $0xFFFFFD88  }
0x2e: {  	[tilespmem:s7], [sflag:$0x1] =	stream.indirect.gather [hbm4b:s2+s6], $0x80, s3, s6, $0xb8;
	[tilespmem:$0x13E80] =	vst v63  }
0x2f: {  	_ = 	snop  }
0x30: {  	[tilespmem:s8], [sflag:$0x1] =	stream.indirect.gather [hbm4b:s2+s6], $0x80, s6, s6, $0xb8;
	[tilespmem:$0x13E80] =	vst v63  }
0x31: {  	_ = 	snop  }
0x32: {  	[tilespmem:s10], [sflag:$0x1] =	stream.indirect.gather [hbm4b:s2+s6], $0x80, s9, s6, $0xb8;
	[tilespmem:$0x13E80] =	vst v63  }
0x33: {  	_ = 	snop  }
0x34: {  	[tilespmem:s12], [sflag:$0x1] =	stream.indirect.gather [hbm4b:s2+s6], $0x80, s11, s6, $0xb8;
	[tilespmem:$0x13E80] =	vst v63  }
0x35: {  	_ = 	snop  }
0x36: {  	[tilespmem:s15], [sflag:$0x1] =	stream.indirect.gather [hbm4b:s2+s13], $0x80, s14, s13, $0xb8;
	[tilespmem:$0x13E80] =	vst v63  }
0x37: {  	_ =	swait.ge [sflag:s16], $0x4000  }
0x38: {  	[sflag:s16] =	ssyncset.done $0x0  }
0x39: {  	[sflag:s16] =	ssyncadd.s32 $0xFFFFC000  }
0x3a: {  	_ =	swait.ge [sflag:s16], $0x4000  }
0x3b: {  	[sflag:s16] =	ssyncset.done $0x0  }
0x3c: {  	[sflag:s16] =	ssyncadd.s32 $0xFFFFC000  }
0x3d: {  	_ =	swait.ge [sflag:s16], $0x4000  }
0x3e: {  	[sflag:s16] =	ssyncset.done $0x0  }
0x3f: {  	[sflag:s16] =	ssyncadd.s32 $0xFFFFC000  }
0x40: {  	_ =	swait.ge [sflag:s16], $0x4000  }
0x41: {  	[sflag:s16] =	ssyncset.done $0x0  }
0x42: {  	[sflag:s16] =	ssyncadd.s32 $0xFFFFC000  }
0x43: {  	_ =	swait.ge [sflag:s16], $0x3C00  }
.Ltmp1:
0x44: {  	[sflag:s16] =	ssyncset.done $0x0;
	(pc) =	sbr.rel @p0 .LBB2_1-.Ltmp1, $4  }
0x45: {  	[sflag:s16] =	ssyncadd.s32 $0xFFFFC400  }
0x46: {  	[hbm4b:s17+s3] =	stream.linear.scatter [tilespmem:s7], [sflag:$0x2], $0x13C00, $0x38;
	[tilespmem:$0x13E80] =	vst v63  }
0x47: {  	_ =	swait.ge [sflag:s4], $0x13C00  }
0x48: {  	[sflag:s4] =	ssyncset.done $0x0  }
.LBB2_2:
0x49: {  	[sflag:s4] =	ssyncadd.s32 $0xFFFEC400  }
0x4a: {  	_ =	sfence.sel $0x180000  }
0x4b: {  	[bflag:$0x0] =	sbarrier.arrive $0xFFFF  }
0x4c: {  	p0 =	sne.s32 s0, $0x0;
	_ =	strace $0x9000004A  }
0x4d: {  	s0 =	sadd.s32 @!p0 $0x100000, s1;
	[bflag:$0x2] =	sbarrier.arrive $0xFFFF  }
0x4e: {  	[sflag:s0] =	ssyncadd.tile.s32 @!p0 $0x1;
	_ =	shalt  }
.Lfunc_end2:
_tile_overlayer_lowered:
.L_overlay_start_2:
0x4f: {  	(tag) =	ssettag $0x2  }
0x50: {  	s0 =	rddreg [dreg:$0x0];
	s2 =	stileid.u32  }
0x51: {  	s1 =	rddreg [dreg:$0x1];
	p0 =	sne.s32 s2, $0x0  }
0x52: {  	s3 =	rddreg [dreg:$0x2];
	[bflag:$0x3] =	sbarrier.arrive $0xFFFF;
	s2 =	simm.s32 @!p0 $0x1C02  }
0x53: {  	[timem:s3], [sflag:s2] =	dma.local @!p0 [hbm:s0], s1  }
0x54: {  	s0 =	simm.s32 @!p0 $0x2  }
0x55: {  	_ =	swait.ge @!p0 [sflag:s0], s1  }
0x56: {  	s1 =	ssub.s32 @!p0 $0x0, s1;
	[sflag:s0] =	ssyncset.done @!p0 $0x0  }
0x57: {  	[sflag:s0] =	ssyncadd.s32 @!p0 s1  }
0x58: {  	[bflag:$0x3] =	sbarrier.arrive $0xFFFF  }
0x59: {  	_ =	shalt  }

</sc_bundles>
